<compile_context>
chip_gen: v7x
topology: tpu7x:2x2x1
jax: 0.10.2.dev20260603
libtpu: 0.0.44.dev20260713+nightly
codegen_flags: <defaults>
</compile_context>

<pallas_src>
import functools

import jax
import jax.numpy as jnp
from jax import lax
from jax.experimental import pallas as pl
from jax.experimental.pallas import tpu as pltpu
from jax.experimental.pallas import tpu_sc as plsc

NC = 2
NS = 16
NW = NC * NS

IW = 128
ZR = 160


def _sc_segment_sum(edge_attr, dest3d, npad):
    E, D = edge_attr.shape
    e_pt = E // NW
    nfc = e_pt // IW
    te = e_pt - nfc * IW
    rw = nfc + (1 if te else 0)
    npair = nfc // 2
    rt = npad // NS
    ro = (rw // 2) // 8 * 8
    ic = ((rw - ro + 7) // 8) * 8

    mesh = plsc.VectorSubcoreMesh(
        core_axis_name="c", subcore_axis_name="s", num_cores=NC, num_subcores=NS
    )

    @functools.partial(
        pl.kernel,
        out_type=jax.ShapeDtypeStruct((NC, npad, D), jnp.float32),
        mesh=mesh,
        scratch_types=[
            pltpu.VMEM((2 * IW, D), jnp.float32),
            pltpu.VMEM((ic, IW), jnp.int32),
            pltpu.VMEM_SHARED((npad, D), jnp.float32),
            pltpu.SemaphoreType.DMA,
            pltpu.SemaphoreType.DMA,
        ],
    )
    def sc_agg(ea_hbm, di_hbm, out_hbm, rows_v, idx_v, acc_sh,
               sem_a, sem_b):
        c = lax.axis_index("c")
        s = lax.axis_index("s")
        wid = c * NS + s
        rows_a = rows_v.at[pl.ds(0, IW)]
        rows_b = rows_v.at[pl.ds(IW, IW)]

        pltpu.sync_copy(di_hbm.at[wid].at[pl.ds(0, ic)], idx_v)

        zero16 = jnp.zeros((16,), jnp.float32)

        def zbody(i, carry):
            for j in range(D // 16):
                rows_v[i, pl.ds(j * 16, 16)] = zero16
            return carry

        lax.fori_loop(0, ZR, zbody, 0)
        nfull = rt // ZR
        for r in range(nfull):
            pltpu.sync_copy(
                rows_v.at[pl.ds(0, ZR)],
                acc_sh.at[pl.ds(s * rt + r * ZR, ZR)],
            )
        if rt % ZR:
            pltpu.sync_copy(
                rows_v.at[pl.ds(0, rt % ZR)],
                acc_sh.at[pl.ds(s * rt + nfull * ZR, rt % ZR)],
            )
        plsc.subcore_barrier()

        def load(k, buf, sem):
            pltpu.async_copy(
                ea_hbm.at[pl.ds(wid * e_pt + k * IW, IW)], buf, sem
            )

        def wait_load(buf, sem):
            pltpu.make_async_copy(
                ea_hbm.at[pl.ds(0, IW)], buf, sem
            ).wait()

        def scatter(buf, k):
            irow = jnp.where(k < ro, k, k - ro)
            pltpu.sync_copy(
                buf,
                acc_sh.at[idx_v.at[irow]],
                add=True,
            )

        load(0, rows_a, sem_a)

        def pair(kk, carry):
            k0 = 2 * kk

            @pl.when(k0 == ro)
            def _():
                pltpu.sync_copy(
                    di_hbm.at[wid].at[pl.ds(ro, ic)],
                    idx_v,
                )

            load(k0 + 1, rows_b, sem_b)
            wait_load(rows_a, sem_a)
            scatter(rows_a, k0)

            @pl.when(k0 + 2 < nfc)
            def _():
                load(k0 + 2, rows_a, sem_a)

            wait_load(rows_b, sem_b)
            scatter(rows_b, k0 + 1)
            return carry

        lax.fori_loop(0, npair, pair, 0)
        if nfc % 2:
            wait_load(rows_a, sem_a)
            scatter(rows_a, nfc - 1)
        if te:
            tb = IW if nfc % 2 else 0
            pltpu.sync_copy(
                ea_hbm.at[pl.ds(wid * e_pt + nfc * IW, te)],
                rows_v.at[pl.ds(tb, te)],
            )

            def tzero(i, carry):
                for j in range(D // 16):
                    rows_v[tb + i, pl.ds(j * 16, 16)] = zero16
                return carry

            lax.fori_loop(te, IW, tzero, 0)
            scatter(rows_b if nfc % 2 else rows_a, rw - 1)
        plsc.subcore_barrier()

        pltpu.sync_copy(
            acc_sh.at[pl.ds(s * rt, rt)],
            out_hbm.at[c].at[pl.ds(s * rt, rt)],
        )

    return sc_agg(edge_attr, dest3d)


def _u_body(x_ref, f_ref, wx_ref, wf_ref, b0_ref, u_ref):
    u = jnp.dot(x_ref[...], wx_ref[...], preferred_element_type=jnp.float32)
    u = u + jnp.dot(f_ref[...], wf_ref[...],
                    preferred_element_type=jnp.float32)
    u_ref[...] = u + b0_ref[...]


def _mlp_body(u_ref, p0_ref, p1_ref, wa_ref, w1_ref, b1_ref, w2_ref, b2_ref,
              o_ref):
    agg = p0_ref[0] + p1_ref[0]
    h = u_ref[...] + jnp.dot(agg, wa_ref[...],
                             preferred_element_type=jnp.float32)
    h = h * jax.nn.sigmoid(h)
    h = jnp.dot(h, w1_ref[...],
                preferred_element_type=jnp.float32) + b1_ref[...]
    h = h * jax.nn.sigmoid(h)
    o_ref[...] = jnp.dot(h, w2_ref[...],
                         preferred_element_type=jnp.float32) + b2_ref[...]


@jax.jit
def kernel(x, edge_index, edge_attr, f, W0, b0, W1, b1, W2, b2):
    N, D = x.shape
    E = edge_attr.shape[0]
    F = f.shape[1]
    H = W1.shape[0]

    algn = NS * 8
    npad = ((N + algn - 1) // algn) * algn

    e_pt = E // NW
    nfc = e_pt // IW
    te = e_pt - nfc * IW
    rw = nfc + (1 if te else 0)
    rw_pad = ((rw + 7) // 8) * 8
    dest2 = edge_index[1].reshape(NW, e_pt)
    if te:
        dest2 = jnp.pad(dest2, ((0, 0), (0, rw * IW - e_pt)))
    dest3d = dest2.reshape(NW, rw, IW)
    if rw_pad != rw:
        dest3d = jnp.pad(dest3d, ((0, 0), (0, rw_pad - rw), (0, 0)))
    partials = _sc_segment_sum(edge_attr, dest3d, npad)

    R = 2000
    nb = N // R
    Wx = W0[:D]
    Wa = W0[D:D + H]
    Wf = W0[D + H:]
    b0r = b0.reshape(1, H)
    b1r = b1.reshape(1, H)
    b2r = b2.reshape(1, H)

    const = lambda i: (0, 0)
    row = lambda i: (i, 0)
    u = pl.pallas_call(
        _u_body,
        grid=(nb,),
        in_specs=[
            pl.BlockSpec((R, D), row),
            pl.BlockSpec((R, F), row),
            pl.BlockSpec((D, H), const),
            pl.BlockSpec((F, H), const),
            pl.BlockSpec((1, H), const),
        ],
        out_specs=pl.BlockSpec((R, H), row),
        out_shape=jax.ShapeDtypeStruct((N, H), jnp.float32),
    )(x, f, Wx, Wf, b0r)

    out = pl.pallas_call(
        _mlp_body,
        grid=(nb,),
        in_specs=[
            pl.BlockSpec((R, H), row),
            pl.BlockSpec((1, R, D), lambda i: (0, i, 0)),
            pl.BlockSpec((1, R, D), lambda i: (1, i, 0)),
            pl.BlockSpec((H, H), const),
            pl.BlockSpec((H, H), const),
            pl.BlockSpec((1, H), const),
            pl.BlockSpec((H, H), const),
            pl.BlockSpec((1, H), const),
        ],
        out_specs=pl.BlockSpec((R, H), row),
        out_shape=jax.ShapeDtypeStruct((N, H), jnp.float32),
    )(u, partials, partials, Wa, W1, b1r, W2, b2r)
    return out

# --- scband reference (transcript-rebuilt; emitter-appended) ---
"""Pipeline reference for scband-node-model-17910013624369 (READ-ONLY COPY).

The authoritative reference and input builder live on the scoring server;
editing this copy changes nothing except your own understanding.
"""

import jax, jax.numpy as jnp
import numpy as np


def setup_inputs(seed: int = 0) -> dict:
    key = jax.random.key(seed)
    ks = jax.random.split(key, 12)
    N, E, D, F = 10000, 320000, 128, 16
    H = 128  # dim_hidden
    D_in = 2 * H + F  # 272
    x = jax.random.normal(ks[0], (N, D), dtype=jnp.float32)
    edge_index = jax.random.randint(ks[1], (2, E), 0, N, dtype=jnp.int32)
    edge_attr = jax.random.normal(ks[2], (E, H), dtype=jnp.float32)
    f = jax.random.normal(ks[3], (N, F), dtype=jnp.float32)
    # MLP params: [272] -> 128 -> 128 -> 128 (n_hidden=2 hidden layers + output)
    def lin(k, fan_in, fan_out):
        bound = 1.0 / np.sqrt(fan_in)
        kw, kb = jax.random.split(k)
        W = jax.random.uniform(kw, (fan_in, fan_out), minval=-bound, maxval=bound, dtype=jnp.float32)
        b = jax.random.uniform(kb, (fan_out,), minval=-bound, maxval=bound, dtype=jnp.float32)
        return W, b
    W0, b0 = lin(ks[4], D_in, H)
    W1, b1 = lin(ks[5], H, H)
    W2, b2 = lin(ks[6], H, H)
    return {"x": x, "edge_index": edge_index, "edge_attr": edge_attr, "f": f,
            "W0": W0, "b0": b0, "W1": W1, "b1": b1, "W2": W2, "b2": b2}


def reference(x, edge_index, edge_attr, f, W0, b0, W1, b1, W2, b2):
    dest = edge_index[1]
    # scatter_add(edge_attr, dest, dim=0, dim_size=N)
    agg = jax.ops.segment_sum(edge_attr, dest, num_segments=x.shape[0])
    h = jnp.concatenate([x, agg, f], axis=1)
    h = jax.nn.silu(h @ W0 + b0)
    h = jax.nn.silu(h @ W1 + b1)
    out = h @ W2 + b2
    return out

if __name__ == "__main__":
    import jax
    _d = setup_inputs()
    print(jax.jit(kernel)(*tuple(_d.values())))

</pallas_src>

<mosaic_0001>
#map = affine_map<(d0, d1) -> (0, 0)>
#map1 = affine_map<(d0, d1) -> (0, 0, 0)>
module attributes {stable_mosaic.version = 14 : i64} {
  func.func @sc_agg(%arg0: i32, %arg1: i32, %arg2: memref<320000x128xf32, #tpu.memory_space<hbm>>, %arg3: memref<32x80x128xi32, #tpu.memory_space<hbm>>, %arg4: memref<2x10112x128xf32, #tpu.memory_space<hbm>>, %arg5: memref<256x128xf32, #tpu.memory_space<vmem>>, %arg6: memref<48x128xi32, #tpu.memory_space<vmem>>, %arg7: memref<10112x128xf32, #tpu.memory_space<vmem_shared>>, %arg8: memref<!tpu.dma_semaphore, #tpu.memory_space<semaphore_mem>>, %arg9: memref<!tpu.dma_semaphore, #tpu.memory_space<semaphore_mem>>) attributes {dimension_semantics = [#tpu.dimension_semantics<core_parallel>, #tpu.dimension_semantics<subcore_parallel>], iteration_bounds = array<i64: 2, 16>, scalar_prefetch = 0 : i64, scratch_operands = 5 : i64, tpu.core_type = #tpu.core_type<sc_vector_subcore>, window_params = [{transform_indices = #map}, {transform_indices = #map1}, {transform_indices = #map1}]} {
    %mul3A = arith.constant 16 : i32
    %mul3A_0 = arith.muli %arg0, %mul3A : i32
    %add3A = arith.addi %mul3A_0, %arg1 : i32
    "tpu.region"() ({
      %run_scoped3A = tpu.sem_alloc : memref<!tpu.dma_semaphore, #tpu.memory_space<semaphore_mem>>
      %dma_start3A_59 = arith.constant 0 : i32
      %dma_start3A_60 = arith.constant 0 : i32
      %dma_start3A_61 = tpu.memref_slice %arg3[%add3A, %dma_start3A_59, %dma_start3A_60] : memref<32x80x128xi32, #tpu.memory_space<hbm>> -> memref<1x80x128xi32, #tpu.memory_space<hbm>>
      %dma_start3A_62 = tpu.memref_squeeze %dma_start3A_61 : memref<1x80x128xi32, #tpu.memory_space<hbm>> -> memref<80x128xi32, #tpu.memory_space<hbm>>
      %dma_start3A_63 = arith.constant 0 : i32
      %dma_start3A_64 = arith.constant 0 : i32
      %dma_start3A_65 = tpu.memref_slice %dma_start3A_62[%dma_start3A_63, %dma_start3A_64] : memref<80x128xi32, #tpu.memory_space<hbm>> -> memref<48x128xi32, #tpu.memory_space<hbm>>
      %dma_start3A_66 = arith.constant 0 : i32
      %dma_start3A_67 = arith.constant 0 : i32
      %dma_start3A_68 = tpu.memref_slice %arg3[%add3A, %dma_start3A_66, %dma_start3A_67] : memref<32x80x128xi32, #tpu.memory_space<hbm>> -> memref<1x80x128xi32, #tpu.memory_space<hbm>>
      %dma_start3A_69 = tpu.memref_squeeze %dma_start3A_68 : memref<1x80x128xi32, #tpu.memory_space<hbm>> -> memref<80x128xi32, #tpu.memory_space<hbm>>
      %dma_start3A_70 = arith.constant 0 : i32
      %dma_start3A_71 = arith.constant 0 : i32
      %dma_start3A_72 = tpu.memref_slice %dma_start3A_69[%dma_start3A_70, %dma_start3A_71] : memref<80x128xi32, #tpu.memory_space<hbm>> -> memref<48x128xi32, #tpu.memory_space<hbm>>
      tpu.enqueue_dma source(%dma_start3A_72 : memref<48x128xi32, #tpu.memory_space<hbm>>) target(%arg6 : memref<48x128xi32, #tpu.memory_space<vmem>>) target_semaphore(%run_scoped3A : memref<!tpu.dma_semaphore, #tpu.memory_space<semaphore_mem>>)
      %dma_wait3A = arith.constant 0 : i32
      %dma_wait3A_73 = arith.constant 0 : i32
      %dma_wait3A_74 = tpu.memref_slice %arg3[%add3A, %dma_wait3A, %dma_wait3A_73] : memref<32x80x128xi32, #tpu.memory_space<hbm>> -> memref<1x80x128xi32, #tpu.memory_space<hbm>>
      %dma_wait3A_75 = tpu.memref_squeeze %dma_wait3A_74 : memref<1x80x128xi32, #tpu.memory_space<hbm>> -> memref<80x128xi32, #tpu.memory_space<hbm>>
      %dma_wait3A_76 = arith.constant 0 : i32
      %dma_wait3A_77 = arith.constant 0 : i32
      %dma_wait3A_78 = tpu.memref_slice %dma_wait3A_75[%dma_wait3A_76, %dma_wait3A_77] : memref<80x128xi32, #tpu.memory_space<hbm>> -> memref<48x128xi32, #tpu.memory_space<hbm>>
      %dma_wait3A_79 = arith.constant 0 : i32
      %dma_wait3A_80 = arith.constant 0 : i32
      %dma_wait3A_81 = tpu.memref_slice %arg3[%add3A, %dma_wait3A_79, %dma_wait3A_80] : memref<32x80x128xi32, #tpu.memory_space<hbm>> -> memref<1x80x128xi32, #tpu.memory_space<hbm>>
      %dma_wait3A_82 = tpu.memref_squeeze %dma_wait3A_81 : memref<1x80x128xi32, #tpu.memory_space<hbm>> -> memref<80x128xi32, #tpu.memory_space<hbm>>
      %dma_wait3A_83 = arith.constant 0 : i32
      %dma_wait3A_84 = arith.constant 0 : i32
      %dma_wait3A_85 = tpu.memref_slice %dma_wait3A_82[%dma_wait3A_83, %dma_wait3A_84] : memref<80x128xi32, #tpu.memory_space<hbm>> -> memref<48x128xi32, #tpu.memory_space<hbm>>
      tpu.wait_dma2 semaphore(%run_scoped3A : memref<!tpu.dma_semaphore, #tpu.memory_space<semaphore_mem>>) src(%dma_wait3A_85 : memref<48x128xi32, #tpu.memory_space<hbm>>) dst(%arg6 : memref<48x128xi32, #tpu.memory_space<vmem>>)
      tpu.yield
    }) : () -> ()
    %broadcast_in_dim3A = arith.constant 0.000000e+00 : f32
    %broadcast_in_dim3A_1 = vector.broadcast %broadcast_in_dim3A : f32 to vector<16xf32>
    %scan3A = arith.constant 0 : i32
    %scan3A_2 = arith.constant 0 : i32
    %scan3A_3 = arith.constant 160 : i32
    %scan3A_4 = arith.addi %scan3A_2, %scan3A_3 : i32
    %scan3A_5 = arith.constant 1 : i32
    scf.for %scan3A_59 = %scan3A_2 to %scan3A_4 step %scan3A_5  : i32 {
      %swap3A = arith.index_cast %scan3A_59 : i32 to index
      %swap3A_60 = arith.constant 0 : index
      %swap3A_61 = tpu.vector_load %arg5[%swap3A, %swap3A_60] {strides = array<i32>} : memref<256x128xf32, #tpu.memory_space<vmem>>, vector<1x16xf32>,
      %swap3A_62 = vector.shape_cast %swap3A_61 : vector<1x16xf32> to vector<16xf32>
      %swap3A_63 = vector.shape_cast %broadcast_in_dim3A_1 : vector<16xf32> to vector<1x16xf32>
      tpu.vector_store %arg5[%swap3A, %swap3A_60], %swap3A_63 {strides = array<i32>} : memref<256x128xf32, #tpu.memory_space<vmem>>, vector<1x16xf32>,
      %swap3A_64 = arith.index_cast %scan3A_59 : i32 to index
      %swap3A_65 = arith.constant 16 : index
      %swap3A_66 = tpu.vector_load %arg5[%swap3A_64, %swap3A_65] {strides = array<i32>} : memref<256x128xf32, #tpu.memory_space<vmem>>, vector<1x16xf32>,
      %swap3A_67 = vector.shape_cast %swap3A_66 : vector<1x16xf32> to vector<16xf32>
      %swap3A_68 = vector.shape_cast %broadcast_in_dim3A_1 : vector<16xf32> to vector<1x16xf32>
      tpu.vector_store %arg5[%swap3A_64, %swap3A_65], %swap3A_68 {strides = array<i32>} : memref<256x128xf32, #tpu.memory_space<vmem>>, vector<1x16xf32>,
      %swap3A_69 = arith.index_cast %scan3A_59 : i32 to index
      %swap3A_70 = arith.constant 32 : index
      %swap3A_71 = tpu.vector_load %arg5[%swap3A_69, %swap3A_70] {strides = array<i32>} : memref<256x128xf32, #tpu.memory_space<vmem>>, vector<1x16xf32>,
      %swap3A_72 = vector.shape_cast %swap3A_71 : vector<1x16xf32> to vector<16xf32>
      %swap3A_73 = vector.shape_cast %broadcast_in_dim3A_1 : vector<16xf32> to vector<1x16xf32>
      tpu.vector_store %arg5[%swap3A_69, %swap3A_70], %swap3A_73 {strides = array<i32>} : memref<256x128xf32, #tpu.memory_space<vmem>>, vector<1x16xf32>,
      %swap3A_74 = arith.index_cast %scan3A_59 : i32 to index
      %swap3A_75 = arith.constant 48 : index
      %swap3A_76 = tpu.vector_load %arg5[%swap3A_74, %swap3A_75] {strides = array<i32>} : memref<256x128xf32, #tpu.memory_space<vmem>>, vector<1x16xf32>,
      %swap3A_77 = vector.shape_cast %swap3A_76 : vector<1x16xf32> to vector<16xf32>
      %swap3A_78 = vector.shape_cast %broadcast_in_dim3A_1 : vector<16xf32> to vector<1x16xf32>
      tpu.vector_store %arg5[%swap3A_74, %swap3A_75], %swap3A_78 {strides = array<i32>} : memref<256x128xf32, #tpu.memory_space<vmem>>, vector<1x16xf32>,
      %swap3A_79 = arith.index_cast %scan3A_59 : i32 to index
      %swap3A_80 = arith.constant 64 : index
      %swap3A_81 = tpu.vector_load %arg5[%swap3A_79, %swap3A_80] {strides = array<i32>} : memref<256x128xf32, #tpu.memory_space<vmem>>, vector<1x16xf32>,
      %swap3A_82 = vector.shape_cast %swap3A_81 : vector<1x16xf32> to vector<16xf32>
      %swap3A_83 = vector.shape_cast %broadcast_in_dim3A_1 : vector<16xf32> to vector<1x16xf32>
      tpu.vector_store %arg5[%swap3A_79, %swap3A_80], %swap3A_83 {strides = array<i32>} : memref<256x128xf32, #tpu.memory_space<vmem>>, vector<1x16xf32>,
      %swap3A_84 = arith.index_cast %scan3A_59 : i32 to index
      %swap3A_85 = arith.constant 80 : index
      %swap3A_86 = tpu.vector_load %arg5[%swap3A_84, %swap3A_85] {strides = array<i32>} : memref<256x128xf32, #tpu.memory_space<vmem>>, vector<1x16xf32>,
      %swap3A_87 = vector.shape_cast %swap3A_86 : vector<1x16xf32> to vector<16xf32>
      %swap3A_88 = vector.shape_cast %broadcast_in_dim3A_1 : vector<16xf32> to vector<1x16xf32>
      tpu.vector_store %arg5[%swap3A_84, %swap3A_85], %swap3A_88 {strides = array<i32>} : memref<256x128xf32, #tpu.memory_space<vmem>>, vector<1x16xf32>,
      %swap3A_89 = arith.index_cast %scan3A_59 : i32 to index
      %swap3A_90 = arith.constant 96 : index
      %swap3A_91 = tpu.vector_load %arg5[%swap3A_89, %swap3A_90] {strides = array<i32>} : memref<256x128xf32, #tpu.memory_space<vmem>>, vector<1x16xf32>,
      %swap3A_92 = vector.shape_cast %swap3A_91 : vector<1x16xf32> to vector<16xf32>
      %swap3A_93 = vector.shape_cast %broadcast_in_dim3A_1 : vector<16xf32> to vector<1x16xf32>
      tpu.vector_store %arg5[%swap3A_89, %swap3A_90], %swap3A_93 {strides = array<i32>} : memref<256x128xf32, #tpu.memory_space<vmem>>, vector<1x16xf32>,
      %swap3A_94 = arith.index_cast %scan3A_59 : i32 to index
      %swap3A_95 = arith.constant 112 : index
      %swap3A_96 = tpu.vector_load %arg5[%swap3A_94, %swap3A_95] {strides = array<i32>} : memref<256x128xf32, #tpu.memory_space<vmem>>, vector<1x16xf32>,
      %swap3A_97 = vector.shape_cast %swap3A_96 : vector<1x16xf32> to vector<16xf32>
      %swap3A_98 = vector.shape_cast %broadcast_in_dim3A_1 : vector<16xf32> to vector<1x16xf32>
      tpu.vector_store %arg5[%swap3A_94, %swap3A_95], %swap3A_98 {strides = array<i32>} : memref<256x128xf32, #tpu.memory_space<vmem>>, vector<1x16xf32>,
    }
    %scan3A_6 = arith.constant 160 : i32
    %mul3A_7 = arith.constant 632 : i32
    %mul3A_8 = arith.muli %arg1, %mul3A_7 : i32
    %add3A_9 = arith.constant 0 : i32
    %add3A_10 = arith.addi %mul3A_8, %add3A_9 : i32
    "tpu.region"() ({
      %run_scoped3A = tpu.sem_alloc : memref<!tpu.dma_semaphore, #tpu.memory_space<semaphore_mem>>
      %dma_start3A_59 = arith.constant 0 : i32
      %dma_start3A_60 = arith.constant 0 : i32
      %dma_start3A_61 = tpu.memref_slice %arg5[%dma_start3A_59, %dma_start3A_60] : memref<256x128xf32, #tpu.memory_space<vmem>> -> memref<160x128xf32, #tpu.memory_space<vmem>>
      %dma_start3A_62 = arith.constant 0 : i32
      %dma_start3A_63 = tpu.memref_slice %arg7[%add3A_10, %dma_start3A_62] : memref<10112x128xf32, #tpu.memory_space<vmem_shared>> -> memref<160x128xf32, #tpu.memory_space<vmem_shared>>
      %dma_start3A_64 = arith.constant 0 : i32
      %dma_start3A_65 = tpu.memref_slice %arg7[%add3A_10, %dma_start3A_64] : memref<10112x128xf32, #tpu.memory_space<vmem_shared>> -> memref<160x128xf32, #tpu.memory_space<vmem_shared>>
      %dma_start3A_66 = arith.constant 0 : i32
      %dma_start3A_67 = arith.constant 0 : i32
      %dma_start3A_68 = tpu.memref_slice %arg5[%dma_start3A_66, %dma_start3A_67] : memref<256x128xf32, #tpu.memory_space<vmem>> -> memref<160x128xf32, #tpu.memory_space<vmem>>
      tpu.enqueue_dma source(%dma_start3A_68 : memref<160x128xf32, #tpu.memory_space<vmem>>) target(%dma_start3A_65 : memref<160x128xf32, #tpu.memory_space<vmem_shared>>) target_semaphore(%run_scoped3A : memref<!tpu.dma_semaphore, #tpu.memory_space<semaphore_mem>>)
      %dma_wait3A = arith.constant 0 : i32
      %dma_wait3A_69 = arith.constant 0 : i32
      %dma_wait3A_70 = tpu.memref_slice %arg5[%dma_wait3A, %dma_wait3A_69] : memref<256x128xf32, #tpu.memory_space<vmem>> -> memref<160x128xf32, #tpu.memory_space<vmem>>
      %dma_wait3A_71 = arith.constant 0 : i32
      %dma_wait3A_72 = tpu.memref_slice %arg7[%add3A_10, %dma_wait3A_71] : memref<10112x128xf32, #tpu.memory_space<vmem_shared>> -> memref<160x128xf32, #tpu.memory_space<vmem_shared>>
      %dma_wait3A_73 = arith.constant 0 : i32
      %dma_wait3A_74 = tpu.memref_slice %arg7[%add3A_10, %dma_wait3A_73] : memref<10112x128xf32, #tpu.memory_space<vmem_shared>> -> memref<160x128xf32, #tpu.memory_space<vmem_shared>>
      %dma_wait3A_75 = arith.constant 0 : i32
      %dma_wait3A_76 = arith.constant 0 : i32
      %dma_wait3A_77 = tpu.memref_slice %arg5[%dma_wait3A_75, %dma_wait3A_76] : memref<256x128xf32, #tpu.memory_space<vmem>> -> memref<160x128xf32, #tpu.memory_space<vmem>>
      tpu.wait_dma2 semaphore(%run_scoped3A : memref<!tpu.dma_semaphore, #tpu.memory_space<semaphore_mem>>) src(%dma_wait3A_77 : memref<160x128xf32, #tpu.memory_space<vmem>>) dst(%dma_wait3A_74 : memref<160x128xf32, #tpu.memory_space<vmem_shared>>)
      tpu.yield
    }) : () -> ()
    %mul3A_11 = arith.constant 632 : i32
    %mul3A_12 = arith.muli %arg1, %mul3A_11 : i32
    %add3A_13 = arith.constant 160 : i32
    %add3A_14 = arith.addi %mul3A_12, %add3A_13 : i32
    "tpu.region"() ({
      %run_scoped3A = tpu.sem_alloc : memref<!tpu.dma_semaphore, #tpu.memory_space<semaphore_mem>>
      %dma_start3A_59 = arith.constant 0 : i32
      %dma_start3A_60 = arith.constant 0 : i32
      %dma_start3A_61 = tpu.memref_slice %arg5[%dma_start3A_59, %dma_start3A_60] : memref<256x128xf32, #tpu.memory_space<vmem>> -> memref<160x128xf32, #tpu.memory_space<vmem>>
      %dma_start3A_62 = arith.constant 0 : i32
      %dma_start3A_63 = tpu.memref_slice %arg7[%add3A_14, %dma_start3A_62] : memref<10112x128xf32, #tpu.memory_space<vmem_shared>> -> memref<160x128xf32, #tpu.memory_space<vmem_shared>>
      %dma_start3A_64 = arith.constant 0 : i32
      %dma_start3A_65 = tpu.memref_slice %arg7[%add3A_14, %dma_start3A_64] : memref<10112x128xf32, #tpu.memory_space<vmem_shared>> -> memref<160x128xf32, #tpu.memory_space<vmem_shared>>
      %dma_start3A_66 = arith.constant 0 : i32
      %dma_start3A_67 = arith.constant 0 : i32
      %dma_start3A_68 = tpu.memref_slice %arg5[%dma_start3A_66, %dma_start3A_67] : memref<256x128xf32, #tpu.memory_space<vmem>> -> memref<160x128xf32, #tpu.memory_space<vmem>>
      tpu.enqueue_dma source(%dma_start3A_68 : memref<160x128xf32, #tpu.memory_space<vmem>>) target(%dma_start3A_65 : memref<160x128xf32, #tpu.memory_space<vmem_shared>>) target_semaphore(%run_scoped3A : memref<!tpu.dma_semaphore, #tpu.memory_space<semaphore_mem>>)
      %dma_wait3A = arith.constant 0 : i32
      %dma_wait3A_69 = arith.constant 0 : i32
      %dma_wait3A_70 = tpu.memref_slice %arg5[%dma_wait3A, %dma_wait3A_69] : memref<256x128xf32, #tpu.memory_space<vmem>> -> memref<160x128xf32, #tpu.memory_space<vmem>>
      %dma_wait3A_71 = arith.constant 0 : i32
      %dma_wait3A_72 = tpu.memref_slice %arg7[%add3A_14, %dma_wait3A_71] : memref<10112x128xf32, #tpu.memory_space<vmem_shared>> -> memref<160x128xf32, #tpu.memory_space<vmem_shared>>
      %dma_wait3A_73 = arith.constant 0 : i32
      %dma_wait3A_74 = tpu.memref_slice %arg7[%add3A_14, %dma_wait3A_73] : memref<10112x128xf32, #tpu.memory_space<vmem_shared>> -> memref<160x128xf32, #tpu.memory_space<vmem_shared>>
      %dma_wait3A_75 = arith.constant 0 : i32
      %dma_wait3A_76 = arith.constant 0 : i32
      %dma_wait3A_77 = tpu.memref_slice %arg5[%dma_wait3A_75, %dma_wait3A_76] : memref<256x128xf32, #tpu.memory_space<vmem>> -> memref<160x128xf32, #tpu.memory_space<vmem>>
      tpu.wait_dma2 semaphore(%run_scoped3A : memref<!tpu.dma_semaphore, #tpu.memory_space<semaphore_mem>>) src(%dma_wait3A_77 : memref<160x128xf32, #tpu.memory_space<vmem>>) dst(%dma_wait3A_74 : memref<160x128xf32, #tpu.memory_space<vmem_shared>>)
      tpu.yield
    }) : () -> ()
    %mul3A_15 = arith.constant 632 : i32
    %mul3A_16 = arith.muli %arg1, %mul3A_15 : i32
    %add3A_17 = arith.constant 320 : i32
    %add3A_18 = arith.addi %mul3A_16, %add3A_17 : i32
    "tpu.region"() ({
      %run_scoped3A = tpu.sem_alloc : memref<!tpu.dma_semaphore, #tpu.memory_space<semaphore_mem>>
      %dma_start3A_59 = arith.constant 0 : i32
      %dma_start3A_60 = arith.constant 0 : i32
      %dma_start3A_61 = tpu.memref_slice %arg5[%dma_start3A_59, %dma_start3A_60] : memref<256x128xf32, #tpu.memory_space<vmem>> -> memref<160x128xf32, #tpu.memory_space<vmem>>
      %dma_start3A_62 = arith.constant 0 : i32
      %dma_start3A_63 = tpu.memref_slice %arg7[%add3A_18, %dma_start3A_62] : memref<10112x128xf32, #tpu.memory_space<vmem_shared>> -> memref<160x128xf32, #tpu.memory_space<vmem_shared>>
      %dma_start3A_64 = arith.constant 0 : i32
      %dma_start3A_65 = tpu.memref_slice %arg7[%add3A_18, %dma_start3A_64] : memref<10112x128xf32, #tpu.memory_space<vmem_shared>> -> memref<160x128xf32, #tpu.memory_space<vmem_shared>>
      %dma_start3A_66 = arith.constant 0 : i32
      %dma_start3A_67 = arith.constant 0 : i32
      %dma_start3A_68 = tpu.memref_slice %arg5[%dma_start3A_66, %dma_start3A_67] : memref<256x128xf32, #tpu.memory_space<vmem>> -> memref<160x128xf32, #tpu.memory_space<vmem>>
      tpu.enqueue_dma source(%dma_start3A_68 : memref<160x128xf32, #tpu.memory_space<vmem>>) target(%dma_start3A_65 : memref<160x128xf32, #tpu.memory_space<vmem_shared>>) target_semaphore(%run_scoped3A : memref<!tpu.dma_semaphore, #tpu.memory_space<semaphore_mem>>)
      %dma_wait3A = arith.constant 0 : i32
      %dma_wait3A_69 = arith.constant 0 : i32
      %dma_wait3A_70 = tpu.memref_slice %arg5[%dma_wait3A, %dma_wait3A_69] : memref<256x128xf32, #tpu.memory_space<vmem>> -> memref<160x128xf32, #tpu.memory_space<vmem>>
      %dma_wait3A_71 = arith.constant 0 : i32
      %dma_wait3A_72 = tpu.memref_slice %arg7[%add3A_18, %dma_wait3A_71] : memref<10112x128xf32, #tpu.memory_space<vmem_shared>> -> memref<160x128xf32, #tpu.memory_space<vmem_shared>>
      %dma_wait3A_73 = arith.constant 0 : i32
      %dma_wait3A_74 = tpu.memref_slice %arg7[%add3A_18, %dma_wait3A_73] : memref<10112x128xf32, #tpu.memory_space<vmem_shared>> -> memref<160x128xf32, #tpu.memory_space<vmem_shared>>
      %dma_wait3A_75 = arith.constant 0 : i32
      %dma_wait3A_76 = arith.constant 0 : i32
      %dma_wait3A_77 = tpu.memref_slice %arg5[%dma_wait3A_75, %dma_wait3A_76] : memref<256x128xf32, #tpu.memory_space<vmem>> -> memref<160x128xf32, #tpu.memory_space<vmem>>
      tpu.wait_dma2 semaphore(%run_scoped3A : memref<!tpu.dma_semaphore, #tpu.memory_space<semaphore_mem>>) src(%dma_wait3A_77 : memref<160x128xf32, #tpu.memory_space<vmem>>) dst(%dma_wait3A_74 : memref<160x128xf32, #tpu.memory_space<vmem_shared>>)
      tpu.yield
    }) : () -> ()
    %mul3A_19 = arith.constant 632 : i32
    %mul3A_20 = arith.muli %arg1, %mul3A_19 : i32
    %add3A_21 = arith.constant 480 : i32
    %add3A_22 = arith.addi %mul3A_20, %add3A_21 : i32
    "tpu.region"() ({
      %run_scoped3A = tpu.sem_alloc : memref<!tpu.dma_semaphore, #tpu.memory_space<semaphore_mem>>
      %dma_start3A_59 = arith.constant 0 : i32
      %dma_start3A_60 = arith.constant 0 : i32
      %dma_start3A_61 = tpu.memref_slice %arg5[%dma_start3A_59, %dma_start3A_60] : memref<256x128xf32, #tpu.memory_space<vmem>> -> memref<152x128xf32, #tpu.memory_space<vmem>>
      %dma_start3A_62 = arith.constant 0 : i32
      %dma_start3A_63 = tpu.memref_slice %arg7[%add3A_22, %dma_start3A_62] : memref<10112x128xf32, #tpu.memory_space<vmem_shared>> -> memref<152x128xf32, #tpu.memory_space<vmem_shared>>
      %dma_start3A_64 = arith.constant 0 : i32
      %dma_start3A_65 = tpu.memref_slice %arg7[%add3A_22, %dma_start3A_64] : memref<10112x128xf32, #tpu.memory_space<vmem_shared>> -> memref<152x128xf32, #tpu.memory_space<vmem_shared>>
      %dma_start3A_66 = arith.constant 0 : i32
      %dma_start3A_67 = arith.constant 0 : i32
      %dma_start3A_68 = tpu.memref_slice %arg5[%dma_start3A_66, %dma_start3A_67] : memref<256x128xf32, #tpu.memory_space<vmem>> -> memref<152x128xf32, #tpu.memory_space<vmem>>
      tpu.enqueue_dma source(%dma_start3A_68 : memref<152x128xf32, #tpu.memory_space<vmem>>) target(%dma_start3A_65 : memref<152x128xf32, #tpu.memory_space<vmem_shared>>) target_semaphore(%run_scoped3A : memref<!tpu.dma_semaphore, #tpu.memory_space<semaphore_mem>>)
      %dma_wait3A = arith.constant 0 : i32
      %dma_wait3A_69 = arith.constant 0 : i32
      %dma_wait3A_70 = tpu.memref_slice %arg5[%dma_wait3A, %dma_wait3A_69] : memref<256x128xf32, #tpu.memory_space<vmem>> -> memref<152x128xf32, #tpu.memory_space<vmem>>
      %dma_wait3A_71 = arith.constant 0 : i32
      %dma_wait3A_72 = tpu.memref_slice %arg7[%add3A_22, %dma_wait3A_71] : memref<10112x128xf32, #tpu.memory_space<vmem_shared>> -> memref<152x128xf32, #tpu.memory_space<vmem_shared>>
      %dma_wait3A_73 = arith.constant 0 : i32
      %dma_wait3A_74 = tpu.memref_slice %arg7[%add3A_22, %dma_wait3A_73] : memref<10112x128xf32, #tpu.memory_space<vmem_shared>> -> memref<152x128xf32, #tpu.memory_space<vmem_shared>>
      %dma_wait3A_75 = arith.constant 0 : i32
      %dma_wait3A_76 = arith.constant 0 : i32
      %dma_wait3A_77 = tpu.memref_slice %arg5[%dma_wait3A_75, %dma_wait3A_76] : memref<256x128xf32, #tpu.memory_space<vmem>> -> memref<152x128xf32, #tpu.memory_space<vmem>>
      tpu.wait_dma2 semaphore(%run_scoped3A : memref<!tpu.dma_semaphore, #tpu.memory_space<semaphore_mem>>) src(%dma_wait3A_77 : memref<152x128xf32, #tpu.memory_space<vmem>>) dst(%dma_wait3A_74 : memref<152x128xf32, #tpu.memory_space<vmem_shared>>)
      tpu.yield
    }) : () -> ()
    %barrier3A = arith.constant 0 : index
    tpu.barrier barrier_id(%barrier3A)
    %mul3A_23 = arith.constant 10000 : i32
    %mul3A_24 = arith.muli %add3A, %mul3A_23 : i32
    %add3A_25 = arith.constant 0 : i32
    %add3A_26 = arith.addi %mul3A_24, %add3A_25 : i32
    %dma_start3A = arith.constant 0 : i32
    %dma_start3A_27 = arith.constant 0 : i32
    %dma_start3A_28 = tpu.memref_slice %arg5[%dma_start3A, %dma_start3A_27] : memref<256x128xf32, #tpu.memory_space<vmem>> -> memref<128x128xf32, #tpu.memory_space<vmem>>
    %dma_start3A_29 = arith.constant 0 : i32
    %dma_start3A_30 = tpu.memref_slice %arg2[%add3A_26, %dma_start3A_29] : memref<320000x128xf32, #tpu.memory_space<hbm>> -> memref<128x128xf32, #tpu.memory_space<hbm>>
    %dma_start3A_31 = arith.constant 0 : i32
    %dma_start3A_32 = arith.constant 0 : i32
    %dma_start3A_33 = tpu.memref_slice %arg5[%dma_start3A_31, %dma_start3A_32] : memref<256x128xf32, #tpu.memory_space<vmem>> -> memref<128x128xf32, #tpu.memory_space<vmem>>
    %dma_start3A_34 = arith.constant 0 : i32
    %dma_start3A_35 = tpu.memref_slice %arg2[%add3A_26, %dma_start3A_34] : memref<320000x128xf32, #tpu.memory_space<hbm>> -> memref<128x128xf32, #tpu.memory_space<hbm>>
    tpu.enqueue_dma source(%dma_start3A_35 : memref<128x128xf32, #tpu.memory_space<hbm>>) target(%dma_start3A_33 : memref<128x128xf32, #tpu.memory_space<vmem>>) target_semaphore(%arg8 : memref<!tpu.dma_semaphore, #tpu.memory_space<semaphore_mem>>)
    %scan3A_36 = arith.constant 0 : i32
    %scan3A_37 = arith.constant 0 : i32
    %scan3A_38 = arith.constant 39 : i32
    %scan3A_39 = arith.addi %scan3A_37, %scan3A_38 : i32
    %scan3A_40 = arith.constant 1 : i32
    scf.for %scan3A_59 = %scan3A_37 to %scan3A_39 step %scan3A_40  : i32 {
      %mul3A_60 = arith.constant 2 : i32
      %mul3A_61 = arith.muli %mul3A_60, %scan3A_59 : i32
      %eq3A = arith.constant 32 : i32
      %eq3A_62 = arith.cmpi eq, %mul3A_61, %eq3A : i32
      %convert_element_type3A = arith.extui %eq3A_62 : i1 to i32
      %cond3A = arith.constant 0 : i32
      %cond3A_63 = arith.cmpi ne, %convert_element_type3A, %cond3A : i32
      scf.if %cond3A_63 {
        "tpu.region"() ({
          %run_scoped3A = tpu.sem_alloc : memref<!tpu.dma_semaphore, #tpu.memory_space<semaphore_mem>>
          %dma_start3A_121 = arith.constant 0 : i32
          %dma_start3A_122 = arith.constant 0 : i32
          %dma_start3A_123 = tpu.memref_slice %arg3[%add3A, %dma_start3A_121, %dma_start3A_122] : memref<32x80x128xi32, #tpu.memory_space<hbm>> -> memref<1x80x128xi32, #tpu.memory_space<hbm>>
          %dma_start3A_124 = tpu.memref_squeeze %dma_start3A_123 : memref<1x80x128xi32, #tpu.memory_space<hbm>> -> memref<80x128xi32, #tpu.memory_space<hbm>>
          %dma_start3A_125 = arith.constant 32 : i32
          %dma_start3A_126 = arith.constant 0 : i32
          %dma_start3A_127 = tpu.memref_slice %dma_start3A_124[%dma_start3A_125, %dma_start3A_126] : memref<80x128xi32, #tpu.memory_space<hbm>> -> memref<48x128xi32, #tpu.memory_space<hbm>>
          %dma_start3A_128 = arith.constant 0 : i32
          %dma_start3A_129 = arith.constant 0 : i32
          %dma_start3A_130 = tpu.memref_slice %arg3[%add3A, %dma_start3A_128, %dma_start3A_129] : memref<32x80x128xi32, #tpu.memory_space<hbm>> -> memref<1x80x128xi32, #tpu.memory_space<hbm>>
          %dma_start3A_131 = tpu.memref_squeeze %dma_start3A_130 : memref<1x80x128xi32, #tpu.memory_space<hbm>> -> memref<80x128xi32, #tpu.memory_space<hbm>>
          %dma_start3A_132 = arith.constant 32 : i32
          %dma_start3A_133 = arith.constant 0 : i32
          %dma_start3A_134 = tpu.memref_slice %dma_start3A_131[%dma_start3A_132, %dma_start3A_133] : memref<80x128xi32, #tpu.memory_space<hbm>> -> memref<48x128xi32, #tpu.memory_space<hbm>>
          tpu.enqueue_dma source(%dma_start3A_134 : memref<48x128xi32, #tpu.memory_space<hbm>>) target(%arg6 : memref<48x128xi32, #tpu.memory_space<vmem>>) target_semaphore(%run_scoped3A : memref<!tpu.dma_semaphore, #tpu.memory_space<semaphore_mem>>)
          %dma_wait3A_135 = arith.constant 0 : i32
          %dma_wait3A_136 = arith.constant 0 : i32
          %dma_wait3A_137 = tpu.memref_slice %arg3[%add3A, %dma_wait3A_135, %dma_wait3A_136] : memref<32x80x128xi32, #tpu.memory_space<hbm>> -> memref<1x80x128xi32, #tpu.memory_space<hbm>>
          %dma_wait3A_138 = tpu.memref_squeeze %dma_wait3A_137 : memref<1x80x128xi32, #tpu.memory_space<hbm>> -> memref<80x128xi32, #tpu.memory_space<hbm>>
          %dma_wait3A_139 = arith.constant 32 : i32
          %dma_wait3A_140 = arith.constant 0 : i32
          %dma_wait3A_141 = tpu.memref_slice %dma_wait3A_138[%dma_wait3A_139, %dma_wait3A_140] : memref<80x128xi32, #tpu.memory_space<hbm>> -> memref<48x128xi32, #tpu.memory_space<hbm>>
          %dma_wait3A_142 = arith.constant 0 : i32
          %dma_wait3A_143 = arith.constant 0 : i32
          %dma_wait3A_144 = tpu.memref_slice %arg3[%add3A, %dma_wait3A_142, %dma_wait3A_143] : memref<32x80x128xi32, #tpu.memory_space<hbm>> -> memref<1x80x128xi32, #tpu.memory_space<hbm>>
          %dma_wait3A_145 = tpu.memref_squeeze %dma_wait3A_144 : memref<1x80x128xi32, #tpu.memory_space<hbm>> -> memref<80x128xi32, #tpu.memory_space<hbm>>
          %dma_wait3A_146 = arith.constant 32 : i32
          %dma_wait3A_147 = arith.constant 0 : i32
          %dma_wait3A_148 = tpu.memref_slice %dma_wait3A_145[%dma_wait3A_146, %dma_wait3A_147] : memref<80x128xi32, #tpu.memory_space<hbm>> -> memref<48x128xi32, #tpu.memory_space<hbm>>
          tpu.wait_dma2 semaphore(%run_scoped3A : memref<!tpu.dma_semaphore, #tpu.memory_space<semaphore_mem>>) src(%dma_wait3A_148 : memref<48x128xi32, #tpu.memory_space<hbm>>) dst(%arg6 : memref<48x128xi32, #tpu.memory_space<vmem>>)
          tpu.yield
        }) : () -> ()
      } else {
      }
      %add3A_64 = arith.constant 1 : i32
      %add3A_65 = arith.addi %mul3A_61, %add3A_64 : i32
      %mul3A_66 = arith.constant 10000 : i32
      %mul3A_67 = arith.muli %add3A, %mul3A_66 : i32
      %mul3A_68 = arith.constant 128 : i32
      %mul3A_69 = arith.muli %add3A_65, %mul3A_68 : i32
      %add3A_70 = arith.addi %mul3A_67, %mul3A_69 : i32
      %dma_start3A_71 = arith.constant 128 : i32
      %dma_start3A_72 = arith.constant 0 : i32
      %dma_start3A_73 = tpu.memref_slice %arg5[%dma_start3A_71, %dma_start3A_72] : memref<256x128xf32, #tpu.memory_space<vmem>> -> memref<128x128xf32, #tpu.memory_space<vmem>>
      %dma_start3A_74 = arith.constant 0 : i32
      %dma_start3A_75 = tpu.memref_slice %arg2[%add3A_70, %dma_start3A_74] : memref<320000x128xf32, #tpu.memory_space<hbm>> -> memref<128x128xf32, #tpu.memory_space<hbm>>
      %dma_start3A_76 = arith.constant 128 : i32
      %dma_start3A_77 = arith.constant 0 : i32
      %dma_start3A_78 = tpu.memref_slice %arg5[%dma_start3A_76, %dma_start3A_77] : memref<256x128xf32, #tpu.memory_space<vmem>> -> memref<128x128xf32, #tpu.memory_space<vmem>>
      %dma_start3A_79 = arith.constant 0 : i32
      %dma_start3A_80 = tpu.memref_slice %arg2[%add3A_70, %dma_start3A_79] : memref<320000x128xf32, #tpu.memory_space<hbm>> -> memref<128x128xf32, #tpu.memory_space<hbm>>
      tpu.enqueue_dma source(%dma_start3A_80 : memref<128x128xf32, #tpu.memory_space<hbm>>) target(%dma_start3A_78 : memref<128x128xf32, #tpu.memory_space<vmem>>) target_semaphore(%arg9 : memref<!tpu.dma_semaphore, #tpu.memory_space<semaphore_mem>>)
      %dma_wait3A = arith.constant 0 : i32
      %dma_wait3A_81 = arith.constant 0 : i32
      %dma_wait3A_82 = tpu.memref_slice %arg5[%dma_wait3A, %dma_wait3A_81] : memref<256x128xf32, #tpu.memory_space<vmem>> -> memref<128x128xf32, #tpu.memory_space<vmem>>
      %dma_wait3A_83 = arith.constant 0 : i32
      %dma_wait3A_84 = arith.constant 0 : i32
      %dma_wait3A_85 = tpu.memref_slice %arg2[%dma_wait3A_83, %dma_wait3A_84] : memref<320000x128xf32, #tpu.memory_space<hbm>> -> memref<128x128xf32, #tpu.memory_space<hbm>>
      %dma_wait3A_86 = arith.constant 0 : i32
      %dma_wait3A_87 = arith.constant 0 : i32
      %dma_wait3A_88 = tpu.memref_slice %arg5[%dma_wait3A_86, %dma_wait3A_87] : memref<256x128xf32, #tpu.memory_space<vmem>> -> memref<128x128xf32, #tpu.memory_space<vmem>>
      %dma_wait3A_89 = arith.constant 0 : i32
      %dma_wait3A_90 = arith.constant 0 : i32
      %dma_wait3A_91 = tpu.memref_slice %arg2[%dma_wait3A_89, %dma_wait3A_90] : memref<320000x128xf32, #tpu.memory_space<hbm>> -> memref<128x128xf32, #tpu.memory_space<hbm>>
      tpu.wait_dma2 semaphore(%arg8 : memref<!tpu.dma_semaphore, #tpu.memory_space<semaphore_mem>>) src(%dma_wait3A_91 : memref<128x128xf32, #tpu.memory_space<hbm>>) dst(%dma_wait3A_88 : memref<128x128xf32, #tpu.memory_space<vmem>>)
      %lt3A = arith.constant 32 : i32
      %lt3A_92 = arith.cmpi slt, %mul3A_61, %lt3A : i32
      %sub3A = arith.constant 32 : i32
      %sub3A_93 = arith.subi %mul3A_61, %sub3A : i32
      %select_n3A_94 = arith.select %lt3A_92, %mul3A_61, %sub3A_93 : i32
      "tpu.region"() ({
        %run_scoped3A = tpu.sem_alloc : memref<!tpu.dma_semaphore, #tpu.memory_space<semaphore_mem>>
        %dma_start3A_121 = arith.constant 0 : i32
        %dma_start3A_122 = arith.constant 0 : i32
        %dma_start3A_123 = tpu.memref_slice %arg5[%dma_start3A_121, %dma_start3A_122] : memref<256x128xf32, #tpu.memory_space<vmem>> -> memref<128x128xf32, #tpu.memory_space<vmem>>
        %dma_start3A_124 = arith.constant 0 : i32
        %dma_start3A_125 = tpu.memref_slice %arg6[%select_n3A_94, %dma_start3A_124] : memref<48x128xi32, #tpu.memory_space<vmem>> -> memref<1x128xi32, #tpu.memory_space<vmem>>
        %dma_start3A_126 = tpu.memref_squeeze %dma_start3A_125 : memref<1x128xi32, #tpu.memory_space<vmem>> -> memref<128xi32, #tpu.memory_space<vmem>>
        %dma_start3A_127 = arith.constant 0 : i32
        %dma_start3A_128 = arith.constant 0 : i32
        %dma_start3A_129 = tpu.memref_slice %arg7[%dma_start3A_127, %dma_start3A_128] : memref<10112x128xf32, #tpu.memory_space<vmem_shared>> -> memref<10112x128xf32, #tpu.memory_space<vmem_shared>>
        tpu.enqueue_indirect_dma source(%dma_start3A_123 : memref<128x128xf32, #tpu.memory_space<vmem>>) target(%dma_start3A_129 : memref<10112x128xf32, #tpu.memory_space<vmem_shared>>) offsets(%dma_start3A_126 : memref<128xi32, #tpu.memory_space<vmem>>) semaphore(%run_scoped3A : memref<!tpu.dma_semaphore, #tpu.memory_space<semaphore_mem>>) {add = true}
        %dma_wait3A_130 = arith.constant 0 : i32
        %dma_wait3A_131 = arith.constant 0 : i32
        %dma_wait3A_132 = tpu.memref_slice %arg5[%dma_wait3A_130, %dma_wait3A_131] : memref<256x128xf32, #tpu.memory_space<vmem>> -> memref<128x128xf32, #tpu.memory_space<vmem>>
        %dma_wait3A_133 = arith.constant 0 : i32
        %dma_wait3A_134 = tpu.memref_slice %arg6[%select_n3A_94, %dma_wait3A_133] : memref<48x128xi32, #tpu.memory_space<vmem>> -> memref<1x128xi32, #tpu.memory_space<vmem>>
        %dma_wait3A_135 = tpu.memref_squeeze %dma_wait3A_134 : memref<1x128xi32, #tpu.memory_space<vmem>> -> memref<128xi32, #tpu.memory_space<vmem>>
        %dma_wait3A_136 = arith.constant 0 : i32
        %dma_wait3A_137 = arith.constant 0 : i32
        %dma_wait3A_138 = tpu.memref_slice %arg7[%dma_wait3A_136, %dma_wait3A_137] : memref<10112x128xf32, #tpu.memory_space<vmem_shared>> -> memref<10112x128xf32, #tpu.memory_space<vmem_shared>>
        tpu.wait_indirect_dma semaphore(%run_scoped3A : memref<!tpu.dma_semaphore, #tpu.memory_space<semaphore_mem>>) src(%dma_wait3A_132 : memref<128x128xf32, #tpu.memory_space<vmem>>) dst(%dma_wait3A_138 : memref<10112x128xf32, #tpu.memory_space<vmem_shared>>)
        tpu.yield
      }) : () -> ()
      %add3A_95 = arith.constant 2 : i32
      %add3A_96 = arith.addi %mul3A_61, %add3A_95 : i32
      %lt3A_97 = arith.constant 78 : i32
      %lt3A_98 = arith.cmpi slt, %add3A_96, %lt3A_97 : i32
      %convert_element_type3A_99 = arith.extui %lt3A_98 : i1 to i32
      %cond3A_100 = arith.constant 0 : i32
      %cond3A_101 = arith.cmpi ne, %convert_element_type3A_99, %cond3A_100 : i32
      scf.if %cond3A_101 {
        %add3A_121 = arith.constant 2 : i32
        %add3A_122 = arith.addi %mul3A_61, %add3A_121 : i32
        %mul3A_123 = arith.constant 10000 : i32
        %mul3A_124 = arith.muli %add3A, %mul3A_123 : i32
        %mul3A_125 = arith.constant 128 : i32
        %mul3A_126 = arith.muli %add3A_122, %mul3A_125 : i32
        %add3A_127 = arith.addi %mul3A_124, %mul3A_126 : i32
        %dma_start3A_128 = arith.constant 0 : i32
        %dma_start3A_129 = arith.constant 0 : i32
        %dma_start3A_130 = tpu.memref_slice %arg5[%dma_start3A_128, %dma_start3A_129] : memref<256x128xf32, #tpu.memory_space<vmem>> -> memref<128x128xf32, #tpu.memory_space<vmem>>
        %dma_start3A_131 = arith.constant 0 : i32
        %dma_start3A_132 = tpu.memref_slice %arg2[%add3A_127, %dma_start3A_131] : memref<320000x128xf32, #tpu.memory_space<hbm>> -> memref<128x128xf32, #tpu.memory_space<hbm>>
        %dma_start3A_133 = arith.constant 0 : i32
        %dma_start3A_134 = arith.constant 0 : i32
        %dma_start3A_135 = tpu.memref_slice %arg5[%dma_start3A_133, %dma_start3A_134] : memref<256x128xf32, #tpu.memory_space<vmem>> -> memref<128x128xf32, #tpu.memory_space<vmem>>
        %dma_start3A_136 = arith.constant 0 : i32
        %dma_start3A_137 = tpu.memref_slice %arg2[%add3A_127, %dma_start3A_136] : memref<320000x128xf32, #tpu.memory_space<hbm>> -> memref<128x128xf32, #tpu.memory_space<hbm>>
        tpu.enqueue_dma source(%dma_start3A_137 : memref<128x128xf32, #tpu.memory_space<hbm>>) target(%dma_start3A_135 : memref<128x128xf32, #tpu.memory_space<vmem>>) target_semaphore(%arg8 : memref<!tpu.dma_semaphore, #tpu.memory_space<semaphore_mem>>)
      } else {
      }
      %dma_wait3A_102 = arith.constant 128 : i32
      %dma_wait3A_103 = arith.constant 0 : i32
      %dma_wait3A_104 = tpu.memref_slice %arg5[%dma_wait3A_102, %dma_wait3A_103] : memref<256x128xf32, #tpu.memory_space<vmem>> -> memref<128x128xf32, #tpu.memory_space<vmem>>
      %dma_wait3A_105 = arith.constant 0 : i32
      %dma_wait3A_106 = arith.constant 0 : i32
      %dma_wait3A_107 = tpu.memref_slice %arg2[%dma_wait3A_105, %dma_wait3A_106] : memref<320000x128xf32, #tpu.memory_space<hbm>> -> memref<128x128xf32, #tpu.memory_space<hbm>>
      %dma_wait3A_108 = arith.constant 128 : i32
      %dma_wait3A_109 = arith.constant 0 : i32
      %dma_wait3A_110 = tpu.memref_slice %arg5[%dma_wait3A_108, %dma_wait3A_109] : memref<256x128xf32, #tpu.memory_space<vmem>> -> memref<128x128xf32, #tpu.memory_space<vmem>>
      %dma_wait3A_111 = arith.constant 0 : i32
      %dma_wait3A_112 = arith.constant 0 : i32
      %dma_wait3A_113 = tpu.memref_slice %arg2[%dma_wait3A_111, %dma_wait3A_112] : memref<320000x128xf32, #tpu.memory_space<hbm>> -> memref<128x128xf32, #tpu.memory_space<hbm>>
      tpu.wait_dma2 semaphore(%arg9 : memref<!tpu.dma_semaphore, #tpu.memory_space<semaphore_mem>>) src(%dma_wait3A_113 : memref<128x128xf32, #tpu.memory_space<hbm>>) dst(%dma_wait3A_110 : memref<128x128xf32, #tpu.memory_space<vmem>>)
      %add3A_114 = arith.constant 1 : i32
      %add3A_115 = arith.addi %mul3A_61, %add3A_114 : i32
      %lt3A_116 = arith.constant 32 : i32
      %lt3A_117 = arith.cmpi slt, %add3A_115, %lt3A_116 : i32
      %sub3A_118 = arith.constant 32 : i32
      %sub3A_119 = arith.subi %add3A_115, %sub3A_118 : i32
      %select_n3A_120 = arith.select %lt3A_117, %add3A_115, %sub3A_119 : i32
      "tpu.region"() ({
        %run_scoped3A = tpu.sem_alloc : memref<!tpu.dma_semaphore, #tpu.memory_space<semaphore_mem>>
        %dma_start3A_121 = arith.constant 128 : i32
        %dma_start3A_122 = arith.constant 0 : i32
        %dma_start3A_123 = tpu.memref_slice %arg5[%dma_start3A_121, %dma_start3A_122] : memref<256x128xf32, #tpu.memory_space<vmem>> -> memref<128x128xf32, #tpu.memory_space<vmem>>
        %dma_start3A_124 = arith.constant 0 : i32
        %dma_start3A_125 = tpu.memref_slice %arg6[%select_n3A_120, %dma_start3A_124] : memref<48x128xi32, #tpu.memory_space<vmem>> -> memref<1x128xi32, #tpu.memory_space<vmem>>
        %dma_start3A_126 = tpu.memref_squeeze %dma_start3A_125 : memref<1x128xi32, #tpu.memory_space<vmem>> -> memref<128xi32, #tpu.memory_space<vmem>>
        %dma_start3A_127 = arith.constant 0 : i32
        %dma_start3A_128 = arith.constant 0 : i32
        %dma_start3A_129 = tpu.memref_slice %arg7[%dma_start3A_127, %dma_start3A_128] : memref<10112x128xf32, #tpu.memory_space<vmem_shared>> -> memref<10112x128xf32, #tpu.memory_space<vmem_shared>>
        tpu.enqueue_indirect_dma source(%dma_start3A_123 : memref<128x128xf32, #tpu.memory_space<vmem>>) target(%dma_start3A_129 : memref<10112x128xf32, #tpu.memory_space<vmem_shared>>) offsets(%dma_start3A_126 : memref<128xi32, #tpu.memory_space<vmem>>) semaphore(%run_scoped3A : memref<!tpu.dma_semaphore, #tpu.memory_space<semaphore_mem>>) {add = true}
        %dma_wait3A_130 = arith.constant 128 : i32
        %dma_wait3A_131 = arith.constant 0 : i32
        %dma_wait3A_132 = tpu.memref_slice %arg5[%dma_wait3A_130, %dma_wait3A_131] : memref<256x128xf32, #tpu.memory_space<vmem>> -> memref<128x128xf32, #tpu.memory_space<vmem>>
        %dma_wait3A_133 = arith.constant 0 : i32
        %dma_wait3A_134 = tpu.memref_slice %arg6[%select_n3A_120, %dma_wait3A_133] : memref<48x128xi32, #tpu.memory_space<vmem>> -> memref<1x128xi32, #tpu.memory_space<vmem>>
        %dma_wait3A_135 = tpu.memref_squeeze %dma_wait3A_134 : memref<1x128xi32, #tpu.memory_space<vmem>> -> memref<128xi32, #tpu.memory_space<vmem>>
        %dma_wait3A_136 = arith.constant 0 : i32
        %dma_wait3A_137 = arith.constant 0 : i32
        %dma_wait3A_138 = tpu.memref_slice %arg7[%dma_wait3A_136, %dma_wait3A_137] : memref<10112x128xf32, #tpu.memory_space<vmem_shared>> -> memref<10112x128xf32, #tpu.memory_space<vmem_shared>>
        tpu.wait_indirect_dma semaphore(%run_scoped3A : memref<!tpu.dma_semaphore, #tpu.memory_space<semaphore_mem>>) src(%dma_wait3A_132 : memref<128x128xf32, #tpu.memory_space<vmem>>) dst(%dma_wait3A_138 : memref<10112x128xf32, #tpu.memory_space<vmem_shared>>)
        tpu.yield
      }) : () -> ()
    }
    %scan3A_41 = arith.constant 39 : i32
    %mul3A_42 = arith.constant 10000 : i32
    %mul3A_43 = arith.muli %add3A, %mul3A_42 : i32
    %add3A_44 = arith.constant 9984 : i32
    %add3A_45 = arith.addi %mul3A_43, %add3A_44 : i32
    "tpu.region"() ({
      %run_scoped3A = tpu.sem_alloc : memref<!tpu.dma_semaphore, #tpu.memory_space<semaphore_mem>>
      %dma_start3A_59 = arith.constant 0 : i32
      %dma_start3A_60 = arith.constant 0 : i32
      %dma_start3A_61 = tpu.memref_slice %arg5[%dma_start3A_59, %dma_start3A_60] : memref<256x128xf32, #tpu.memory_space<vmem>> -> memref<16x128xf32, #tpu.memory_space<vmem>>
      %dma_start3A_62 = arith.constant 0 : i32
      %dma_start3A_63 = tpu.memref_slice %arg2[%add3A_45, %dma_start3A_62] : memref<320000x128xf32, #tpu.memory_space<hbm>> -> memref<16x128xf32, #tpu.memory_space<hbm>>
      %dma_start3A_64 = arith.constant 0 : i32
      %dma_start3A_65 = arith.constant 0 : i32
      %dma_start3A_66 = tpu.memref_slice %arg5[%dma_start3A_64, %dma_start3A_65] : memref<256x128xf32, #tpu.memory_space<vmem>> -> memref<16x128xf32, #tpu.memory_space<vmem>>
      %dma_start3A_67 = arith.constant 0 : i32
      %dma_start3A_68 = tpu.memref_slice %arg2[%add3A_45, %dma_start3A_67] : memref<320000x128xf32, #tpu.memory_space<hbm>> -> memref<16x128xf32, #tpu.memory_space<hbm>>
      tpu.enqueue_dma source(%dma_start3A_68 : memref<16x128xf32, #tpu.memory_space<hbm>>) target(%dma_start3A_66 : memref<16x128xf32, #tpu.memory_space<vmem>>) target_semaphore(%run_scoped3A : memref<!tpu.dma_semaphore, #tpu.memory_space<semaphore_mem>>)
      %dma_wait3A = arith.constant 0 : i32
      %dma_wait3A_69 = arith.constant 0 : i32
      %dma_wait3A_70 = tpu.memref_slice %arg5[%dma_wait3A, %dma_wait3A_69] : memref<256x128xf32, #tpu.memory_space<vmem>> -> memref<16x128xf32, #tpu.memory_space<vmem>>
      %dma_wait3A_71 = arith.constant 0 : i32
      %dma_wait3A_72 = tpu.memref_slice %arg2[%add3A_45, %dma_wait3A_71] : memref<320000x128xf32, #tpu.memory_space<hbm>> -> memref<16x128xf32, #tpu.memory_space<hbm>>
      %dma_wait3A_73 = arith.constant 0 : i32
      %dma_wait3A_74 = arith.constant 0 : i32
      %dma_wait3A_75 = tpu.memref_slice %arg5[%dma_wait3A_73, %dma_wait3A_74] : memref<256x128xf32, #tpu.memory_space<vmem>> -> memref<16x128xf32, #tpu.memory_space<vmem>>
      %dma_wait3A_76 = arith.constant 0 : i32
      %dma_wait3A_77 = tpu.memref_slice %arg2[%add3A_45, %dma_wait3A_76] : memref<320000x128xf32, #tpu.memory_space<hbm>> -> memref<16x128xf32, #tpu.memory_space<hbm>>
      tpu.wait_dma2 semaphore(%run_scoped3A : memref<!tpu.dma_semaphore, #tpu.memory_space<semaphore_mem>>) src(%dma_wait3A_77 : memref<16x128xf32, #tpu.memory_space<hbm>>) dst(%dma_wait3A_75 : memref<16x128xf32, #tpu.memory_space<vmem>>)
      tpu.yield
    }) : () -> ()
    %scan3A_46 = arith.constant 0 : i32
    %scan3A_47 = arith.constant 16 : i32
    %scan3A_48 = arith.constant 112 : i32
    %scan3A_49 = arith.addi %scan3A_47, %scan3A_48 : i32
    %scan3A_50 = arith.constant 1 : i32
    scf.for %scan3A_59 = %scan3A_47 to %scan3A_49 step %scan3A_50  : i32 {
      %add3A_60 = arith.constant 0 : i32
      %add3A_61 = arith.addi %add3A_60, %scan3A_59 : i32
      %swap3A = arith.index_cast %add3A_61 : i32 to index
      %swap3A_62 = arith.constant 0 : index
      %swap3A_63 = tpu.vector_load %arg5[%swap3A, %swap3A_62] {strides = array<i32>} : memref<256x128xf32, #tpu.memory_space<vmem>>, vector<1x16xf32>,
      %swap3A_64 = vector.shape_cast %swap3A_63 : vector<1x16xf32> to vector<16xf32>
      %swap3A_65 = vector.shape_cast %broadcast_in_dim3A_1 : vector<16xf32> to vector<1x16xf32>
      tpu.vector_store %arg5[%swap3A, %swap3A_62], %swap3A_65 {strides = array<i32>} : memref<256x128xf32, #tpu.memory_space<vmem>>, vector<1x16xf32>,
      %add3A_66 = arith.constant 0 : i32
      %add3A_67 = arith.addi %add3A_66, %scan3A_59 : i32
      %swap3A_68 = arith.index_cast %add3A_67 : i32 to index
      %swap3A_69 = arith.constant 16 : index
      %swap3A_70 = tpu.vector_load %arg5[%swap3A_68, %swap3A_69] {strides = array<i32>} : memref<256x128xf32, #tpu.memory_space<vmem>>, vector<1x16xf32>,
      %swap3A_71 = vector.shape_cast %swap3A_70 : vector<1x16xf32> to vector<16xf32>
      %swap3A_72 = vector.shape_cast %broadcast_in_dim3A_1 : vector<16xf32> to vector<1x16xf32>
      tpu.vector_store %arg5[%swap3A_68, %swap3A_69], %swap3A_72 {strides = array<i32>} : memref<256x128xf32, #tpu.memory_space<vmem>>, vector<1x16xf32>,
      %add3A_73 = arith.constant 0 : i32
      %add3A_74 = arith.addi %add3A_73, %scan3A_59 : i32
      %swap3A_75 = arith.index_cast %add3A_74 : i32 to index
      %swap3A_76 = arith.constant 32 : index
      %swap3A_77 = tpu.vector_load %arg5[%swap3A_75, %swap3A_76] {strides = array<i32>} : memref<256x128xf32, #tpu.memory_space<vmem>>, vector<1x16xf32>,
      %swap3A_78 = vector.shape_cast %swap3A_77 : vector<1x16xf32> to vector<16xf32>
      %swap3A_79 = vector.shape_cast %broadcast_in_dim3A_1 : vector<16xf32> to vector<1x16xf32>
      tpu.vector_store %arg5[%swap3A_75, %swap3A_76], %swap3A_79 {strides = array<i32>} : memref<256x128xf32, #tpu.memory_space<vmem>>, vector<1x16xf32>,
      %add3A_80 = arith.constant 0 : i32
      %add3A_81 = arith.addi %add3A_80, %scan3A_59 : i32
      %swap3A_82 = arith.index_cast %add3A_81 : i32 to index
      %swap3A_83 = arith.constant 48 : index
      %swap3A_84 = tpu.vector_load %arg5[%swap3A_82, %swap3A_83] {strides = array<i32>} : memref<256x128xf32, #tpu.memory_space<vmem>>, vector<1x16xf32>,
      %swap3A_85 = vector.shape_cast %swap3A_84 : vector<1x16xf32> to vector<16xf32>
      %swap3A_86 = vector.shape_cast %broadcast_in_dim3A_1 : vector<16xf32> to vector<1x16xf32>
      tpu.vector_store %arg5[%swap3A_82, %swap3A_83], %swap3A_86 {strides = array<i32>} : memref<256x128xf32, #tpu.memory_space<vmem>>, vector<1x16xf32>,
      %add3A_87 = arith.constant 0 : i32
      %add3A_88 = arith.addi %add3A_87, %scan3A_59 : i32
      %swap3A_89 = arith.index_cast %add3A_88 : i32 to index
      %swap3A_90 = arith.constant 64 : index
      %swap3A_91 = tpu.vector_load %arg5[%swap3A_89, %swap3A_90] {strides = array<i32>} : memref<256x128xf32, #tpu.memory_space<vmem>>, vector<1x16xf32>,
      %swap3A_92 = vector.shape_cast %swap3A_91 : vector<1x16xf32> to vector<16xf32>
      %swap3A_93 = vector.shape_cast %broadcast_in_dim3A_1 : vector<16xf32> to vector<1x16xf32>
      tpu.vector_store %arg5[%swap3A_89, %swap3A_90], %swap3A_93 {strides = array<i32>} : memref<256x128xf32, #tpu.memory_space<vmem>>, vector<1x16xf32>,
      %add3A_94 = arith.constant 0 : i32
      %add3A_95 = arith.addi %add3A_94, %scan3A_59 : i32
      %swap3A_96 = arith.index_cast %add3A_95 : i32 to index
      %swap3A_97 = arith.constant 80 : index
      %swap3A_98 = tpu.vector_load %arg5[%swap3A_96, %swap3A_97] {strides = array<i32>} : memref<256x128xf32, #tpu.memory_space<vmem>>, vector<1x16xf32>,
      %swap3A_99 = vector.shape_cast %swap3A_98 : vector<1x16xf32> to vector<16xf32>
      %swap3A_100 = vector.shape_cast %broadcast_in_dim3A_1 : vector<16xf32> to vector<1x16xf32>
      tpu.vector_store %arg5[%swap3A_96, %swap3A_97], %swap3A_100 {strides = array<i32>} : memref<256x128xf32, #tpu.memory_space<vmem>>, vector<1x16xf32>,
      %add3A_101 = arith.constant 0 : i32
      %add3A_102 = arith.addi %add3A_101, %scan3A_59 : i32
      %swap3A_103 = arith.index_cast %add3A_102 : i32 to index
      %swap3A_104 = arith.constant 96 : index
      %swap3A_105 = tpu.vector_load %arg5[%swap3A_103, %swap3A_104] {strides = array<i32>} : memref<256x128xf32, #tpu.memory_space<vmem>>, vector<1x16xf32>,
      %swap3A_106 = vector.shape_cast %swap3A_105 : vector<1x16xf32> to vector<16xf32>
      %swap3A_107 = vector.shape_cast %broadcast_in_dim3A_1 : vector<16xf32> to vector<1x16xf32>
      tpu.vector_store %arg5[%swap3A_103, %swap3A_104], %swap3A_107 {strides = array<i32>} : memref<256x128xf32, #tpu.memory_space<vmem>>, vector<1x16xf32>,
      %add3A_108 = arith.constant 0 : i32
      %add3A_109 = arith.addi %add3A_108, %scan3A_59 : i32
      %swap3A_110 = arith.index_cast %add3A_109 : i32 to index
      %swap3A_111 = arith.constant 112 : index
      %swap3A_112 = tpu.vector_load %arg5[%swap3A_110, %swap3A_111] {strides = array<i32>} : memref<256x128xf32, #tpu.memory_space<vmem>>, vector<1x16xf32>,
      %swap3A_113 = vector.shape_cast %swap3A_112 : vector<1x16xf32> to vector<16xf32>
      %swap3A_114 = vector.shape_cast %broadcast_in_dim3A_1 : vector<16xf32> to vector<1x16xf32>
      tpu.vector_store %arg5[%swap3A_110, %swap3A_111], %swap3A_114 {strides = array<i32>} : memref<256x128xf32, #tpu.memory_space<vmem>>, vector<1x16xf32>,
    }
    %scan3A_51 = arith.constant 112 : i32
    %jit3A = arith.constant false
    %jit3A_52 = arith.constant 78 : i32
    %jit3A_53 = arith.constant 46 : i32
    %select_n3A = arith.select %jit3A, %jit3A_52, %jit3A_53 : i32
    "tpu.region"() ({
      %run_scoped3A = tpu.sem_alloc : memref<!tpu.dma_semaphore, #tpu.memory_space<semaphore_mem>>
      %dma_start3A_59 = arith.constant 0 : i32
      %dma_start3A_60 = arith.constant 0 : i32
      %dma_start3A_61 = tpu.memref_slice %arg5[%dma_start3A_59, %dma_start3A_60] : memref<256x128xf32, #tpu.memory_space<vmem>> -> memref<128x128xf32, #tpu.memory_space<vmem>>
      %dma_start3A_62 = arith.constant 0 : i32
      %dma_start3A_63 = tpu.memref_slice %arg6[%select_n3A, %dma_start3A_62] : memref<48x128xi32, #tpu.memory_space<vmem>> -> memref<1x128xi32, #tpu.memory_space<vmem>>
      %dma_start3A_64 = tpu.memref_squeeze %dma_start3A_63 : memref<1x128xi32, #tpu.memory_space<vmem>> -> memref<128xi32, #tpu.memory_space<vmem>>
      %dma_start3A_65 = arith.constant 0 : i32
      %dma_start3A_66 = arith.constant 0 : i32
      %dma_start3A_67 = tpu.memref_slice %arg7[%dma_start3A_65, %dma_start3A_66] : memref<10112x128xf32, #tpu.memory_space<vmem_shared>> -> memref<10112x128xf32, #tpu.memory_space<vmem_shared>>
      tpu.enqueue_indirect_dma source(%dma_start3A_61 : memref<128x128xf32, #tpu.memory_space<vmem>>) target(%dma_start3A_67 : memref<10112x128xf32, #tpu.memory_space<vmem_shared>>) offsets(%dma_start3A_64 : memref<128xi32, #tpu.memory_space<vmem>>) semaphore(%run_scoped3A : memref<!tpu.dma_semaphore, #tpu.memory_space<semaphore_mem>>) {add = true}
      %dma_wait3A = arith.constant 0 : i32
      %dma_wait3A_68 = arith.constant 0 : i32
      %dma_wait3A_69 = tpu.memref_slice %arg5[%dma_wait3A, %dma_wait3A_68] : memref<256x128xf32, #tpu.memory_space<vmem>> -> memref<128x128xf32, #tpu.memory_space<vmem>>
      %dma_wait3A_70 = arith.constant 0 : i32
      %dma_wait3A_71 = tpu.memref_slice %arg6[%select_n3A, %dma_wait3A_70] : memref<48x128xi32, #tpu.memory_space<vmem>> -> memref<1x128xi32, #tpu.memory_space<vmem>>
      %dma_wait3A_72 = tpu.memref_squeeze %dma_wait3A_71 : memref<1x128xi32, #tpu.memory_space<vmem>> -> memref<128xi32, #tpu.memory_space<vmem>>
      %dma_wait3A_73 = arith.constant 0 : i32
      %dma_wait3A_74 = arith.constant 0 : i32
      %dma_wait3A_75 = tpu.memref_slice %arg7[%dma_wait3A_73, %dma_wait3A_74] : memref<10112x128xf32, #tpu.memory_space<vmem_shared>> -> memref<10112x128xf32, #tpu.memory_space<vmem_shared>>
      tpu.wait_indirect_dma semaphore(%run_scoped3A : memref<!tpu.dma_semaphore, #tpu.memory_space<semaphore_mem>>) src(%dma_wait3A_69 : memref<128x128xf32, #tpu.memory_space<vmem>>) dst(%dma_wait3A_75 : memref<10112x128xf32, #tpu.memory_space<vmem_shared>>)
      tpu.yield
    }) : () -> ()
    %barrier3A_54 = arith.constant 0 : index
    tpu.barrier barrier_id(%barrier3A_54)
    %mul3A_55 = arith.constant 632 : i32
    %mul3A_56 = arith.muli %arg1, %mul3A_55 : i32
    %mul3A_57 = arith.constant 632 : i32
    %mul3A_58 = arith.muli %arg1, %mul3A_57 : i32
    "tpu.region"() ({
      %run_scoped3A = tpu.sem_alloc : memref<!tpu.dma_semaphore, #tpu.memory_space<semaphore_mem>>
      %dma_start3A_59 = arith.constant 0 : i32
      %dma_start3A_60 = arith.constant 0 : i32
      %dma_start3A_61 = tpu.memref_slice %arg4[%arg0, %dma_start3A_59, %dma_start3A_60] : memref<2x10112x128xf32, #tpu.memory_space<hbm>> -> memref<1x10112x128xf32, #tpu.memory_space<hbm>>
      %dma_start3A_62 = tpu.memref_squeeze %dma_start3A_61 : memref<1x10112x128xf32, #tpu.memory_space<hbm>> -> memref<10112x128xf32, #tpu.memory_space<hbm>>
      %dma_start3A_63 = arith.constant 0 : i32
      %dma_start3A_64 = tpu.memref_slice %dma_start3A_62[%mul3A_58, %dma_start3A_63] : memref<10112x128xf32, #tpu.memory_space<hbm>> -> memref<632x128xf32, #tpu.memory_space<hbm>>
      %dma_start3A_65 = arith.constant 0 : i32
      %dma_start3A_66 = tpu.memref_slice %arg7[%mul3A_56, %dma_start3A_65] : memref<10112x128xf32, #tpu.memory_space<vmem_shared>> -> memref<632x128xf32, #tpu.memory_space<vmem_shared>>
      tpu.enqueue_dma source(%dma_start3A_66 : memref<632x128xf32, #tpu.memory_space<vmem_shared>>) target(%dma_start3A_64 : memref<632x128xf32, #tpu.memory_space<hbm>>) target_semaphore(%run_scoped3A : memref<!tpu.dma_semaphore, #tpu.memory_space<semaphore_mem>>)
      %dma_wait3A = arith.constant 0 : i32
      %dma_wait3A_67 = arith.constant 0 : i32
      %dma_wait3A_68 = tpu.memref_slice %arg4[%arg0, %dma_wait3A, %dma_wait3A_67] : memref<2x10112x128xf32, #tpu.memory_space<hbm>> -> memref<1x10112x128xf32, #tpu.memory_space<hbm>>
      %dma_wait3A_69 = tpu.memref_squeeze %dma_wait3A_68 : memref<1x10112x128xf32, #tpu.memory_space<hbm>> -> memref<10112x128xf32, #tpu.memory_space<hbm>>
      %dma_wait3A_70 = arith.constant 0 : i32
      %dma_wait3A_71 = tpu.memref_slice %dma_wait3A_69[%mul3A_58, %dma_wait3A_70] : memref<10112x128xf32, #tpu.memory_space<hbm>> -> memref<632x128xf32, #tpu.memory_space<hbm>>
      %dma_wait3A_72 = arith.constant 0 : i32
      %dma_wait3A_73 = tpu.memref_slice %arg7[%mul3A_56, %dma_wait3A_72] : memref<10112x128xf32, #tpu.memory_space<vmem_shared>> -> memref<632x128xf32, #tpu.memory_space<vmem_shared>>
      tpu.wait_dma2 semaphore(%run_scoped3A : memref<!tpu.dma_semaphore, #tpu.memory_space<semaphore_mem>>) src(%dma_wait3A_73 : memref<632x128xf32, #tpu.memory_space<vmem_shared>>) dst(%dma_wait3A_71 : memref<632x128xf32, #tpu.memory_space<hbm>>)
      tpu.yield
    }) : () -> ()
    return
  }
}

module attributes {stable_mosaic.version = 14 : i64} {
  func.func @_u_body(%arg0: i32, %arg1: memref<2000x128xf32, #tpu.memory_space<vmem>>, %arg2: memref<2000x16xf32, #tpu.memory_space<vmem>>, %arg3: memref<128x128xf32, #tpu.memory_space<vmem>>, %arg4: memref<16x128xf32, #tpu.memory_space<vmem>>, %arg5: memref<1x128xf32, #tpu.memory_space<vmem>>, %arg6: memref<2000x128xf32, #tpu.memory_space<vmem>>) attributes {dimension_semantics = [#tpu.dimension_semantics<arbitrary>], iteration_bounds = array<i64: 5>, scalar_prefetch = 0 : i64, scratch_operands = 0 : i64, tpu.core_type = #tpu.core_type<tc>, window_params = [{transform_indices = @transform_0, window_bounds = array<i64: 2000, 128>}, {transform_indices = @transform_1, window_bounds = array<i64: 2000, 16>}, {pipeline_mode = #tpu.pipeline_mode<synchronous>, transform_indices = @transform_2, window_bounds = array<i64: 128, 128>}, {pipeline_mode = #tpu.pipeline_mode<synchronous>, transform_indices = @transform_3, window_bounds = array<i64: 16, 128>}, {pipeline_mode = #tpu.pipeline_mode<synchronous>, transform_indices = @transform_4, window_bounds = array<i64: 1, 128>}, {transform_indices = @transform_5, window_bounds = array<i64: 2000, 128>}]} {
    %get3A = arith.constant 0 : index
    %get3A_0 = arith.constant 0 : index
    %get3A_1 = vector.load %arg1[%get3A, %get3A_0] : memref<2000x128xf32, #tpu.memory_space<vmem>>, vector<2000x128xf32>
    %get3A_2 = arith.constant 0 : index
    %get3A_3 = arith.constant 0 : index
    %get3A_4 = vector.load %arg3[%get3A_2, %get3A_3] : memref<128x128xf32, #tpu.memory_space<vmem>>, vector<128x128xf32>
    %dot_general3A = arith.constant dense<0.000000e+00> : vector<2000x128xf32>
    %dot_general3A_5 = tpu.matmul %get3A_1, %get3A_4, %dot_general3A {dimension_numbers = #tpu.dot_dimension_numbers<[1], [0], [0], [1], [0, 0, 1, 1], [], []>, transpose_lhs_hint = false} : vector<2000x128xf32>, vector<128x128xf32>, vector<2000x128xf32> -> vector<2000x128xf32>
    %get3A_6 = arith.constant 0 : index
    %get3A_7 = arith.constant 0 : index
    %get3A_8 = vector.load %arg2[%get3A_6, %get3A_7] : memref<2000x16xf32, #tpu.memory_space<vmem>>, vector<2000x16xf32>
    %get3A_9 = arith.constant 0 : index
    %get3A_10 = arith.constant 0 : index
    %get3A_11 = vector.load %arg4[%get3A_9, %get3A_10] : memref<16x128xf32, #tpu.memory_space<vmem>>, vector<16x128xf32>
    %dot_general3A_12 = arith.constant dense<0.000000e+00> : vector<2000x128xf32>
    %dot_general3A_13 = tpu.matmul %get3A_8, %get3A_11, %dot_general3A_12 {dimension_numbers = #tpu.dot_dimension_numbers<[1], [0], [0], [1], [0, 0, 1, 1], [], []>, transpose_lhs_hint = false} : vector<2000x16xf32>, vector<16x128xf32>, vector<2000x128xf32> -> vector<2000x128xf32>
    %add3A = arith.addf %dot_general3A_5, %dot_general3A_13 : vector<2000x128xf32>
    %get3A_14 = arith.constant 0 : index
    %get3A_15 = arith.constant 0 : index
    %get3A_16 = vector.load %arg5[%get3A_14, %get3A_15] : memref<1x128xf32, #tpu.memory_space<vmem>>, vector<1x128xf32>
    %add3A_17 = vector.broadcast %get3A_16 : vector<1x128xf32> to vector<2000x128xf32>
    %add3A_18 = arith.addf %add3A, %add3A_17 : vector<2000x128xf32>
    %swap3A = arith.constant 0 : index
    %swap3A_19 = arith.constant 0 : index
    %swap3A_20 = vector.load %arg6[%swap3A, %swap3A_19] : memref<2000x128xf32, #tpu.memory_space<vmem>>, vector<2000x128xf32>
    tpu.vector_store %arg6[%swap3A, %swap3A_19], %add3A_18 {strides = array<i32>} : memref<2000x128xf32, #tpu.memory_space<vmem>>, vector<2000x128xf32>,
    return
  }
  func.func @transform_0(%arg0: i32) -> (i32, i32) {
    %c0_i32 = arith.constant 0 : i32
    %c0_i32_0 = arith.constant 0 : i32
    return %arg0, %c0_i32 : i32, i32
  }
  func.func @transform_1(%arg0: i32) -> (i32, i32) {
    %c0_i32 = arith.constant 0 : i32
    %c0_i32_0 = arith.constant 0 : i32
    return %arg0, %c0_i32 : i32, i32
  }
  func.func @transform_2(%arg0: i32) -> (i32, i32) {
    %c0_i32 = arith.constant 0 : i32
    %c0_i32_0 = arith.constant 0 : i32
    %c0_i32_1 = arith.constant 0 : i32
    return %c0_i32, %c0_i32_0 : i32, i32
  }
  func.func @transform_3(%arg0: i32) -> (i32, i32) {
    %c0_i32 = arith.constant 0 : i32
    %c0_i32_0 = arith.constant 0 : i32
    %c0_i32_1 = arith.constant 0 : i32
    return %c0_i32, %c0_i32_0 : i32, i32
  }
  func.func @transform_4(%arg0: i32) -> (i32, i32) {
    %c0_i32 = arith.constant 0 : i32
    %c0_i32_0 = arith.constant 0 : i32
    %c0_i32_1 = arith.constant 0 : i32
    return %c0_i32, %c0_i32_0 : i32, i32
  }
  func.func @transform_5(%arg0: i32) -> (i32, i32) {
    %c0_i32 = arith.constant 0 : i32
    %c0_i32_0 = arith.constant 0 : i32
    return %arg0, %c0_i32 : i32, i32
  }
}

module attributes {stable_mosaic.version = 14 : i64} {
  func.func @_mlp_body(%arg0: i32, %arg1: memref<2000x128xf32, #tpu.memory_space<vmem>>, %arg2: memref<1x2000x128xf32, #tpu.memory_space<vmem>>, %arg3: memref<1x2000x128xf32, #tpu.memory_space<vmem>>, %arg4: memref<128x128xf32, #tpu.memory_space<vmem>>, %arg5: memref<128x128xf32, #tpu.memory_space<vmem>>, %arg6: memref<1x128xf32, #tpu.memory_space<vmem>>, %arg7: memref<128x128xf32, #tpu.memory_space<vmem>>, %arg8: memref<1x128xf32, #tpu.memory_space<vmem>>, %arg9: memref<2000x128xf32, #tpu.memory_space<vmem>>) attributes {dimension_semantics = [#tpu.dimension_semantics<arbitrary>], iteration_bounds = array<i64: 5>, scalar_prefetch = 0 : i64, scratch_operands = 0 : i64, tpu.core_type = #tpu.core_type<tc>, window_params = [{transform_indices = @transform_0, window_bounds = array<i64: 2000, 128>}, {transform_indices = @transform_1, window_bounds = array<i64: 1, 2000, 128>}, {transform_indices = @transform_2, window_bounds = array<i64: 1, 2000, 128>}, {pipeline_mode = #tpu.pipeline_mode<synchronous>, transform_indices = @transform_3, window_bounds = array<i64: 128, 128>}, {pipeline_mode = #tpu.pipeline_mode<synchronous>, transform_indices = @transform_4, window_bounds = array<i64: 128, 128>}, {pipeline_mode = #tpu.pipeline_mode<synchronous>, transform_indices = @transform_5, window_bounds = array<i64: 1, 128>}, {pipeline_mode = #tpu.pipeline_mode<synchronous>, transform_indices = @transform_6, window_bounds = array<i64: 128, 128>}, {pipeline_mode = #tpu.pipeline_mode<synchronous>, transform_indices = @transform_7, window_bounds = array<i64: 1, 128>}, {transform_indices = @transform_8, window_bounds = array<i64: 2000, 128>}]} {
    %get3A = arith.constant 0 : index
    %get3A_0 = arith.constant 0 : index
    %get3A_1 = arith.constant 0 : index
    %get3A_2 = vector.load %arg2[%get3A, %get3A_0, %get3A_1] : memref<1x2000x128xf32, #tpu.memory_space<vmem>>, vector<1x2000x128xf32>
    %get3A_3 = vector.shape_cast %get3A_2 : vector<1x2000x128xf32> to vector<2000x128xf32>
    %get3A_4 = arith.constant 0 : index
    %get3A_5 = arith.constant 0 : index
    %get3A_6 = arith.constant 0 : index
    %get3A_7 = vector.load %arg3[%get3A_4, %get3A_5, %get3A_6] : memref<1x2000x128xf32, #tpu.memory_space<vmem>>, vector<1x2000x128xf32>
    %get3A_8 = vector.shape_cast %get3A_7 : vector<1x2000x128xf32> to vector<2000x128xf32>
    %add3A = arith.addf %get3A_3, %get3A_8 : vector<2000x128xf32>
    %get3A_9 = arith.constant 0 : index
    %get3A_10 = arith.constant 0 : index
    %get3A_11 = vector.load %arg1[%get3A_9, %get3A_10] : memref<2000x128xf32, #tpu.memory_space<vmem>>, vector<2000x128xf32>
    %get3A_12 = arith.constant 0 : index
    %get3A_13 = arith.constant 0 : index
    %get3A_14 = vector.load %arg4[%get3A_12, %get3A_13] : memref<128x128xf32, #tpu.memory_space<vmem>>, vector<128x128xf32>
    %dot_general3A = arith.constant dense<0.000000e+00> : vector<2000x128xf32>
    %dot_general3A_15 = tpu.matmul %add3A, %get3A_14, %dot_general3A {dimension_numbers = #tpu.dot_dimension_numbers<[1], [0], [0], [1], [0, 0, 1, 1], [], []>, transpose_lhs_hint = false} : vector<2000x128xf32>, vector<128x128xf32>, vector<2000x128xf32> -> vector<2000x128xf32>
    %add3A_16 = arith.addf %get3A_11, %dot_general3A_15 : vector<2000x128xf32>
    %logistic3A = arith.negf %add3A_16 : vector<2000x128xf32>
    %logistic3A_17 = math.exp %logistic3A : vector<2000x128xf32>
    %logistic3A_18 = arith.constant 1.000000e+00 : f32
    %logistic3A_19 = vector.broadcast %logistic3A_18 : f32 to vector<2000x128xf32>
    %logistic3A_20 = arith.addf %logistic3A_19, %logistic3A_17 : vector<2000x128xf32>
    %logistic3A_21 = arith.divf %logistic3A_19, %logistic3A_20 : vector<2000x128xf32>
    %mul3A = arith.mulf %add3A_16, %logistic3A_21 : vector<2000x128xf32>
    %get3A_22 = arith.constant 0 : index
    %get3A_23 = arith.constant 0 : index
    %get3A_24 = vector.load %arg5[%get3A_22, %get3A_23] : memref<128x128xf32, #tpu.memory_space<vmem>>, vector<128x128xf32>
    %dot_general3A_25 = arith.constant dense<0.000000e+00> : vector<2000x128xf32>
    %dot_general3A_26 = tpu.matmul %mul3A, %get3A_24, %dot_general3A_25 {dimension_numbers = #tpu.dot_dimension_numbers<[1], [0], [0], [1], [0, 0, 1, 1], [], []>, transpose_lhs_hint = false} : vector<2000x128xf32>, vector<128x128xf32>, vector<2000x128xf32> -> vector<2000x128xf32>
    %get3A_27 = arith.constant 0 : index
    %get3A_28 = arith.constant 0 : index
    %get3A_29 = vector.load %arg6[%get3A_27, %get3A_28] : memref<1x128xf32, #tpu.memory_space<vmem>>, vector<1x128xf32>
    %add3A_30 = vector.broadcast %get3A_29 : vector<1x128xf32> to vector<2000x128xf32>
    %add3A_31 = arith.addf %dot_general3A_26, %add3A_30 : vector<2000x128xf32>
    %logistic3A_32 = arith.negf %add3A_31 : vector<2000x128xf32>
    %logistic3A_33 = math.exp %logistic3A_32 : vector<2000x128xf32>
    %logistic3A_34 = arith.constant 1.000000e+00 : f32
    %logistic3A_35 = vector.broadcast %logistic3A_34 : f32 to vector<2000x128xf32>
    %logistic3A_36 = arith.addf %logistic3A_35, %logistic3A_33 : vector<2000x128xf32>
    %logistic3A_37 = arith.divf %logistic3A_35, %logistic3A_36 : vector<2000x128xf32>
    %mul3A_38 = arith.mulf %add3A_31, %logistic3A_37 : vector<2000x128xf32>
    %get3A_39 = arith.constant 0 : index
    %get3A_40 = arith.constant 0 : index
    %get3A_41 = vector.load %arg7[%get3A_39, %get3A_40] : memref<128x128xf32, #tpu.memory_space<vmem>>, vector<128x128xf32>
    %dot_general3A_42 = arith.constant dense<0.000000e+00> : vector<2000x128xf32>
    %dot_general3A_43 = tpu.matmul %mul3A_38, %get3A_41, %dot_general3A_42 {dimension_numbers = #tpu.dot_dimension_numbers<[1], [0], [0], [1], [0, 0, 1, 1], [], []>, transpose_lhs_hint = false} : vector<2000x128xf32>, vector<128x128xf32>, vector<2000x128xf32> -> vector<2000x128xf32>
    %get3A_44 = arith.constant 0 : index
    %get3A_45 = arith.constant 0 : index
    %get3A_46 = vector.load %arg8[%get3A_44, %get3A_45] : memref<1x128xf32, #tpu.memory_space<vmem>>, vector<1x128xf32>
    %add3A_47 = vector.broadcast %get3A_46 : vector<1x128xf32> to vector<2000x128xf32>
    %add3A_48 = arith.addf %dot_general3A_43, %add3A_47 : vector<2000x128xf32>
    %swap3A = arith.constant 0 : index
    %swap3A_49 = arith.constant 0 : index
    %swap3A_50 = vector.load %arg9[%swap3A, %swap3A_49] : memref<2000x128xf32, #tpu.memory_space<vmem>>, vector<2000x128xf32>
    tpu.vector_store %arg9[%swap3A, %swap3A_49], %add3A_48 {strides = array<i32>} : memref<2000x128xf32, #tpu.memory_space<vmem>>, vector<2000x128xf32>,
    return
  }
  func.func @transform_0(%arg0: i32) -> (i32, i32) {
    %c0_i32 = arith.constant 0 : i32
    %c0_i32_0 = arith.constant 0 : i32
    return %arg0, %c0_i32 : i32, i32
  }
  func.func @transform_1(%arg0: i32) -> (i32, i32, i32) {
    %c0_i32 = arith.constant 0 : i32
    %c0_i32_0 = arith.constant 0 : i32
    %c0_i32_1 = arith.constant 0 : i32
    return %c0_i32, %arg0, %c0_i32_0 : i32, i32, i32
  }
  func.func @transform_2(%arg0: i32) -> (i32, i32, i32) {
    %c1_i32 = arith.constant 1 : i32
    %c0_i32 = arith.constant 0 : i32
    %c0_i32_0 = arith.constant 0 : i32
    return %c1_i32, %arg0, %c0_i32 : i32, i32, i32
  }
  func.func @transform_3(%arg0: i32) -> (i32, i32) {
    %c0_i32 = arith.constant 0 : i32
    %c0_i32_0 = arith.constant 0 : i32
    %c0_i32_1 = arith.constant 0 : i32
    return %c0_i32, %c0_i32_0 : i32, i32
  }
  func.func @transform_4(%arg0: i32) -> (i32, i32) {
    %c0_i32 = arith.constant 0 : i32
    %c0_i32_0 = arith.constant 0 : i32
    %c0_i32_1 = arith.constant 0 : i32
    return %c0_i32, %c0_i32_0 : i32, i32
  }
  func.func @transform_5(%arg0: i32) -> (i32, i32) {
    %c0_i32 = arith.constant 0 : i32
    %c0_i32_0 = arith.constant 0 : i32
    %c0_i32_1 = arith.constant 0 : i32
    return %c0_i32, %c0_i32_0 : i32, i32
  }
  func.func @transform_6(%arg0: i32) -> (i32, i32) {
    %c0_i32 = arith.constant 0 : i32
    %c0_i32_0 = arith.constant 0 : i32
    %c0_i32_1 = arith.constant 0 : i32
    return %c0_i32, %c0_i32_0 : i32, i32
  }
  func.func @transform_7(%arg0: i32) -> (i32, i32) {
    %c0_i32 = arith.constant 0 : i32
    %c0_i32_0 = arith.constant 0 : i32
    %c0_i32_1 = arith.constant 0 : i32
    return %c0_i32, %c0_i32_0 : i32, i32
  }
  func.func @transform_8(%arg0: i32) -> (i32, i32) {
    %c0_i32 = arith.constant 0 : i32
    %c0_i32_0 = arith.constant 0 : i32
    return %arg0, %c0_i32 : i32, i32
  }
}

</mosaic_0001>

<sc_bundles>
// kernel: kernel.5.cloned.1.call-start
scs
__scs_entry_jumppad:
0x0: {  	(pc) =	sbr.rel $0x88, $3  }
0x1: {  	(tag) =	ssettag $0x0;
	lr =	simm.s32 $0x1  }
0x2: {  	[smem:$0x3F97] =	sst lr;
	_ =	strace $0xD0000000  }
0x3: {  	_ = 	snop  }
0x4: {  	_ = 	snop  }
0x5: {  	_ = 	snop  }
0x6: {  	_ = 	snop  }
0x7: {  	_ = 	snop  }
__scs_overlays_trampoline_lowered:
0x8: {  	[smem:$0x3FA6] =	sst s0  }
0x9: {  	[smem:$0x3FA7] =	sst s1  }
0xa: {  	[smem:$0x3FA8] =	sst s2  }
0xb: {  	[smem:$0x3FA9] =	sst s3  }
0xc: {  	[smem:$0x3FAA] =	sst s4  }
0xd: {  	[smem:$0x3FAB] =	sst s5  }
0xe: {  	[smem:$0x3FAC] =	sst s6  }
0xf: {  	[smem:$0x3FAD] =	sst s7  }
0x10: {  	[smem:$0x3FAE] =	sst s8  }
0x11: {  	[smem:$0x3FAF] =	sst s9;
	s0 =	simm.s32 @!p0 $0x0  }
0x12: {  	s1 =	sld [smem:$0x3F95];
	s0 =	simm.s32 @p0 $0x1  }
0x13: {  	[smem:$0x3FB0] =	sst s0;
	s0 =	simm.s32 @!p1 $0x0  }
0x14: {  	s2 =	sld [smem:$0x3F94];
	s0 =	simm.s32 @p1 $0x1  }
0x15: {  	[smem:$0x3FB1] =	sst s0;
	s0 =	simm.s32 @!p2 $0x0  }
0x16: {  	s3 =	sld [smem:$0x3FDB];
	s0 =	simm.s32 @p2 $0x1  }
0x17: {  	s4 =	simm.s32 $0x1BF5;
	[smem:$0x3FB3] =	sst s0  }
0x18: {  	s0 =	sld [smem:$0x3F96];
	_ =	swait.ge [sflag:s4], $0x0  }
0x19: {  	s7 =	sld [smem:$0x3F97]  }
0x1a: {  	s8 =	sadd.s32 $0xFFFFE003, lr  }
0x1b: {  	s9 =	sadd.s32 $0xFFFFFEF7, lr;
	s5 =	simm.s32 $0xFFFFFFFF;
	p2 =	slt.u32 s8, $0xFFFFF086  }
0x1c: {  	p1 =	slt.u32 s9, $0xF7A;
	s5 =	simm.s32 @!p2 $0x0  }
0x1d: {  	s5 =	simm.s32 @p1 $0x1;
	p0 =	seq.s32 s7, s2  }
0x1e: {  	s7 =	smul.u32 @!p0 $0xF7A, s2;
	p2 =	seq.s32 @!p0 s5, $0x0  }
0x1f: {  	s9 =	smul.u32 $0xF7A, s1;
	s8 =	simm.s32 @!p0 $0x1BF5;
	p2 =	por !p2, p0  }
0x20: {  	[sflag:s8] =	ssyncset.s32 @!p0 $0xFFFFF086;
	s6 =	sadd.s32 @!p0 s3, s7;
	s7 =	simm.s32 @!p0 $0x108  }
0x21: {  	s3 =	sadd.s32 s3, s9;
	s6 =	sadd.s32 @!p0 $0x88, s6;
	s7 =	simm.s32 @p2 $0x1082  }
0x22: {  	[simem:s7], [sflag:s8] =	dma.local @!p0 [hbm:s6], $0xF7A  }
0x23: {  	s9 =	sor.u32 $0xD0000000, s2;
	s6 =	simm.s32 $0x108;
	_ =	swait.ge @!p0 [sflag:s8], $0x0  }
0x24: {  	s3 =	sadd.s32 $0x88, s3;
	s6 =	simm.s32 @!p1 $0x1082;
	[sflag:s4] =	ssyncset.s32 $0xFFFFF086  }
0x25: {  	[simem:s6], [sflag:s4] =	dma.local [hbm:s3], $0xF7A  }
0x26: {  	[smem:$0x3F97] =	sst s1;
	(tag) =	ssettag s2;
	_ =	strace s9  }
0x27: {  	s1 =	sld [smem:$0x3FA7]  }
0x28: {  	s2 =	sld [smem:$0x3FA8]  }
0x29: {  	s4 =	sld [smem:$0x3FAA]  }
0x2a: {  	p0 =	seq.s32 s5, $0x0;
	s5 =	sld [smem:$0x3FAB]  }
0x2b: {  	s6 =	sld [smem:$0x3FAC]  }
0x2c: {  	s7 =	sld [smem:$0x3FAD]  }
0x2d: {  	s3 =	simm.s32 $0x108;
	s8 =	sld [smem:$0x3FAE]  }
0x2e: {  	s3 =	simm.s32 @!p0 $0x1082;
	s9 =	sld [smem:$0x3FAF]  }
0x2f: {  	lr =	sadd.s32 s0, s3;
	s0 =	sld [smem:$0x3FA6]  }
0x30: {  	s3 =	sld [smem:$0x3FA9]  }
0x31: {  	[smem:$0x3FB2] =	sst s10  }
0x32: {  	s10 =	sld [smem:$0x3FB0];
	_ =	sdelay $0x3  }
0x33: {  	p0 =	seq.s32 s10, $0x1;
	s10 =	sld [smem:$0x3FB2];
	_ =	sdelay $0x3  }
0x34: {  	[smem:$0x3FB2] =	sst s10  }
0x35: {  	s10 =	sld [smem:$0x3FB1];
	_ =	sdelay $0x3  }
0x36: {  	p1 =	seq.s32 s10, $0x1;
	s10 =	sld [smem:$0x3FB2];
	_ =	sdelay $0x3  }
0x37: {  	[smem:$0x3FB2] =	sst s10  }
0x38: {  	s10 =	sld [smem:$0x3FB3]  }
0x39: {  	_ = 	snop;
	(pc) =	sbr.ind lr, $3  }
0x3a: {  	_ = 	snop  }
0x3b: {  	_ = 	snop  }
0x3c: {  	p2 =	seq.s32 s10, $0x1;
	s10 =	sld [smem:$0x3FB2]  }
0x3d: {  	_ =	shalt  }
0x3e: {  	_ =	shalt  }
0x3f: {  	_ =	shalt  }
0x40: {  	_ =	shalt  }
0x41: {  	_ =	shalt  }
0x42: {  	_ =	shalt  }
0x43: {  	_ =	shalt  }
0x44: {  	_ =	shalt  }
0x45: {  	_ =	shalt  }
0x46: {  	_ =	shalt  }
0x47: {  	_ =	shalt  }
0x48: {  	_ =	shalt  }
0x49: {  	_ =	shalt  }
0x4a: {  	_ =	shalt  }
0x4b: {  	_ =	shalt  }
0x4c: {  	_ =	shalt  }
0x4d: {  	_ =	shalt  }
0x4e: {  	_ =	shalt  }
0x4f: {  	_ =	shalt  }
0x50: {  	_ =	shalt  }
0x51: {  	_ =	shalt  }
0x52: {  	_ =	shalt  }
0x53: {  	_ =	shalt  }
0x54: {  	_ =	shalt  }
0x55: {  	_ =	shalt  }
0x56: {  	_ =	shalt  }
0x57: {  	_ =	shalt  }
0x58: {  	_ =	shalt  }
0x59: {  	_ =	shalt  }
0x5a: {  	_ =	shalt  }
0x5b: {  	_ =	shalt  }
0x5c: {  	_ =	shalt  }
0x5d: {  	_ =	shalt  }
0x5e: {  	_ =	shalt  }
0x5f: {  	_ =	shalt  }
0x60: {  	_ =	shalt  }
0x61: {  	_ =	shalt  }
0x62: {  	_ =	shalt  }
0x63: {  	_ =	shalt  }
0x64: {  	_ =	shalt  }
0x65: {  	_ =	shalt  }
0x66: {  	_ =	shalt  }
0x67: {  	_ =	shalt  }
0x68: {  	_ =	shalt  }
0x69: {  	_ =	shalt  }
0x6a: {  	_ =	shalt  }
0x6b: {  	_ =	shalt  }
0x6c: {  	_ =	shalt  }
0x6d: {  	_ =	shalt  }
0x6e: {  	_ =	shalt  }
0x6f: {  	_ =	shalt  }
0x70: {  	_ =	shalt  }
0x71: {  	_ =	shalt  }
0x72: {  	_ =	shalt  }
0x73: {  	_ =	shalt  }
0x74: {  	_ =	shalt  }
0x75: {  	_ =	shalt  }
0x76: {  	_ =	shalt  }
0x77: {  	_ =	shalt  }
0x78: {  	_ =	shalt  }
0x79: {  	_ =	shalt  }
0x7a: {  	_ =	shalt  }
0x7b: {  	_ =	shalt  }
0x7c: {  	_ =	shalt  }
0x7d: {  	_ =	shalt  }
0x7e: {  	_ =	shalt  }
0x7f: {  	_ =	shalt  }
0x80: {  	_ =	shalt  }
0x81: {  	_ =	shalt  }
0x82: {  	_ =	shalt  }
0x83: {  	_ =	shalt  }
0x84: {  	_ =	shalt  }
0x85: {  	_ =	shalt  }
0x86: {  	_ =	shalt  }
0x87: {  	_ =	shalt  }
.Lfunc_end0:
.L_simem_size_0:
called_computation_lowered:
.L_overlay_start_0:
0x88: {  	s2 =	sld [smem:$0x3FD9]  }
0x89: {  	s3 =	sld [smem:$0x3FFE];
	_ =	sdelay $0x1  }
0x8a: {  	s1 =	srdreg.scid  }
0x8b: {  	s0 =	sand.u32 $0x1, s1  }
0x8c: {  	s17 =	sshll.u32 s0, $0xA;
	s2 =	sadd.s32 s3, s2  }
0x8d: {  	s2 =	sadd.s32 s2, s17  }
0x8e: {  	[smem:$0x3FBE] =	sst s2  }
0x8f: {  	_ = 	snop  }
0x90: {  	s2 =	sld [smem:$0x3FC7]  }
0x91: {  	s18 =	sld [smem:$0x3FD0];
	(tm) =	ssettm $0x1  }
0x92: {  	s4 =	sld [smem:$0x3FFB];
	_ =	sdelay $0x3  }
0x93: {  	_ =	strace s4  }
0x94: {  	s4 =	sld [smem:$0x3FFC];
	_ =	sdelay $0x3  }
0x95: {  	_ =	strace s4  }
0x96: {  	s4 =	sld [smem:$0x3FFD];
	_ =	sdelay $0x3  }
0x97: {  	_ =	strace s4  }
0x98: {  	_ =	strace $0x8FFFFFFF  }
0x99: {  	s19 =	sld [smem:$0x3FDB];
	_ =	sdelay $0x1  }
0x9a: {  	s5 =	simm.s32 $_scs_section_size  }
0x9b: {  	s6 =	simm.s32 $_size__tile_overlayer_lowered;
	s7 =	simm.s32 $_tile_overlayer_lowered  }
0x9c: {  	s22 =	simm.s32 $0x1BFF;
	s21 =	sshll.u32 s7, $0x1;
	s4 =	sadd.s32 s5, s19  }
0x9d: {  	s8 =	simm.s32 $0x0;
	s20 =	sshll.u32 s6, $0x1;
	s6 =	sadd.s32 s21, s4  }
0x9e: {  	[timem:s8], [sflag:s22] =	dma.local [hbm:s6], s20  }
0x9f: {  	_ =	swait.ge [sflag:s22], s20  }
0xa0: {  	s5 =	ssub.s32 $0x0, s20;
	[sflag:s22] =	ssyncset.done $0x0  }
0xa1: {  	[sflag:s22] =	ssyncadd.s32 s5;
	_ =	sdelay $0x1  }
0xa2: {  	s23 =	simm.s32 $0x1B8B  }
0xa3: {  	_ =	swait.ge [sflag:s23], $0x1  }
0xa4: {  	[sflag:s23] =	ssyncset.done $0x0  }
0xa5: {  	s25 =	simm.s32 $0x1B8E;
	s24 =	sld [smem:$0x3FFE];
	[sflag:s23] =	ssyncadd.s32 $0xFFFFFFFF  }
0xa6: {  	s26 =	simm.s32 $execute0_lowered;
	[smem:$0x3FD2] =	sst s25  }
0xa7: {  	s6 =	sshll.u32 s26, $0x1;
	_ =	strace $0x80000046;
	[dreg:$0x1] =	wrdreg $0xFFFFFFFF  }
0xa8: {  	s28 =	simm.s32 $_size_execute0_lowered;
	s4 =	sadd.s32 s4, s6;
	[dreg:$0x0] =	wrdreg $0x0  }
0xa9: {  	s6 =	sshll.u32 s28, $0x1;
	[dreg:$0x2] =	wrdreg s4  }
0xaa: {  	[dreg:$0x3] =	wrdreg s6  }
0xab: {  	[dreg:$0x4] =	wrdreg $0xC0  }
0xac: {  	_ =	task [dreg:s8], $0x5FFFF  }
0xad: {  	[dreg:$0x1] =	wrdreg $0xFFFFFFFF  }
0xae: {  	[dreg:$0x0] =	wrdreg $0x60  }
0xaf: {  	[dreg:$0x2] =	wrdreg s2  }
0xb0: {  	[dreg:$0x3] =	wrdreg s18  }
0xb1: {  	[dreg:$0x4] =	wrdreg s24  }
0xb2: {  	[dreg:$0x5] =	wrdreg $0x98000  }
0xb3: {  	[dreg:$0x6] =	wrdreg $0x9  }
0xb4: {  	_ =	task.clear_ibuf [dreg:s8], $0x7FFFF;
	_ =	strace $0x90000046  }
0xb5: {  	s29 =	simm.s32 $0x9;
	_ =	strace $0x80000048  }
0xb6: {  	_ =	swait.ge [sflag:s29], $0x1  }
0xb7: {  	[sflag:s29] =	ssyncadd.s32 $0xFFFFFFFF  }
0xb8: {  	_ =	strace $0x90000048  }
0xb9: {  	_ =	sfence  }
0xba: {  	s30 =	sld [smem:$0x0];
	_ =	sdelay $0x2  }
0xbb: {  	s31 =	sshll.u32 s1, $0xD;
	s1 =	sshrl.u32 s1, $0x2  }
0xbc: {  	s3 =	sand.u32 $0x4000, s31;
	s1 =	sadd.s32 s1, s30  }
0xbd: {  	s0 =	sor.u32 s3, s0;
	s1 =	sshll.u32 s1, $0x11  }
0xbe: {  	s0 =	sor.u32 s1, s0  }
0xbf: {  	s0 =	sadd.s32 $0x8F2B, s0  }
0xc0: {  	[sflag:s0] =	ssyncadd.remote.s32 $0x1  }
0xc1: {  	_ =	sfence.sel $0xFFFF  }
0xc2: {  	[dreg:$0x0] =	wrdreg $0xFFFFFFFF;
	(pc) =	sbr.abs _section_cstart, $3  }
0xc3: {  	[dreg:$0x1] =	wrdreg $0xFFFFFFFF  }
0xc4: {  	_ =	task.clear_ibuf [dreg:s8], $0x2FFFF;
	_ =	strace $0x9FFFFFFF  }
0xc5: {  	(tm) =	ssettm $0x7FFFFFFF  }
tec
execute0_lowered:
.L_overlay_start_1:
0x0: {  	(tag) =	ssettag $0x1  }
0x1: {  	s1 =	rddreg [dreg:$0x0]  }
0x2: {  	s0 =	rddreg [dreg:$0x1]  }
0x3: {  	s5 =	rddreg [dreg:$0x2]  }
0x4: {  	s2 =	rddreg [dreg:$0x3];
	s3 =	simm.s32 $0x0;
	s4 =	srdreg.scid  }
0x5: {  	s22 =	stileid.u32;
	s18 =	simm.s32 $0x3;
	s19 =	simm.s32 $0x4000  }
0x6: {  	s20 =	simm.s32 $0x1;
	s21 =	simm.s32 $0x80;
	s10 =	smul.u32 $0x4F000, s22  }
0x7: {  	s28 =	simm.s32 $0x0;
	s9 =	sand.u32 $0x1, s4;
	s16 =	smul.u32 $0x138800, s22  }
0x8: {  	[smem:$0x7FF] =	sst s3;
	s6 =	smul.u32 $0x27800, s9;
	s7 =	sshll.u32 s9, $0x4  }
0x9: {  	s8 =	ssub.s32 $0x2, s9;
	s15 =	smul.u32 $0x1388000, s9;
	s7 =	sor.u32 s22, s7  }
0xa: {  	_ =	strace $0x80000047;
	s23 =	sshrl.u32 s8, $0x1;
	s24 =	smul.u32 $0x500, s7  }
0xb: {  	s25 =	sshrl.u32 s10, $0x2;
	s13 =	sadd.s32 s6, s5;
	s26 =	smul.u32 $0x27100, s7  }
0xc: {  	s14 =	ssub.s32 s8, s23;
	s6 =	sadd.s32 s25, s2;
	s29 =	smul.u32 $0x138800, s7  }
0xd: {  	s15 =	sadd.s32 s16, s15;
	s23 =	smul.u32 $0x2780, s22;
	s22 =	simm.s32 $0x2  }
0xe: {  	s30 =	sadd.s32 $0x5000, s6;
	s8 =	sadd.s32 $0xA000, s6;
	s9 =	sadd.s32 $0xF000, s6  }
0xf: {  	s17 =	sadd.s32 $0x1400, s13;
	s13 =	smax.u32 s14, $0x1;
	s16 =	sadd.s32 $0x4000, s15  }
0x10: {  	s15 =	sadd.s32 $0x8000, s15;
	s5 =	sadd.s32 s0, s24;
	[dreg:$0x5] =	wrdreg s30  }
0x11: {  	s0 =	sshrl.u32 s29, $0x3;
	s10 =	sadd.s32 s1, s26;
	s31 =	sshrl.u32 s16, $0x3  }
0x12: {  	s24 =	sadd.s32 s23, s17;
	s11 =	sadd.s32 $0x200, s5;
	s0 =	sadd.s32 s1, s0  }
0x13: {  	v0 =	vimm.f32 $0.0e+00;
	s16 =	sadd.s32 s31, s1;
	s12 =	sadd.s32 $0x27000, s0;
	s14 =	sadd.s32 $0x26800, s0  }
.LBB2_1:
0x14: {  	s0 =	simm.s32 $0x8000  }
0x15: {  	[tilespmem:s0], [sflag:$0x3] =	stream.linear.gather [hbm4b:s5+s3], $0x1800, $0x38;
	[tilespmem:$0x1D400] =	vst v63  }
0x16: {  	_ =	swait.ge [sflag:s18], $0x1800  }
0x17: {  	[sflag:s18] =	ssyncset.done $0x0  }
0x18: {  	s17 =	simm.s32 $0x200;
	s0 =	simm.s32 $0x0;
	[sflag:s18] =	ssyncadd.s32 $0xFFFFE800  }
.LBB2_2:
0x19: {  	p0 =	sne.s32 s17, $0x13E00;
	[tilespmem:s0+$0x70] =	vst v0  }
0x1a: {  	[tilespmem:s0+$0x0] =	vst v0  }
0x1b: {  	[tilespmem:s0+$0x10] =	vst v0  }
.Ltmp0:
0x1c: {  	[tilespmem:s0+$0x20] =	vst v0;
	(pc) =	sbr.rel @p0 .LBB2_2-.Ltmp0, $4  }
0x1d: {  	[tilespmem:s0+$0x30] =	vst v0  }
0x1e: {  	[tilespmem:s0+$0x40] =	vst v0  }
0x1f: {  	[tilespmem:s0+$0x50] =	vst v0  }
0x20: {  	[tilespmem:s0+$0x60] =	vst v0;
	s0 =	sshra.s32 s17, $0x2;
	s17 =	sadd.s32 $0x200, s17  }
0x21: {  	[tilespmem:s0+$0x70] =	vst v0  }
0x22: {  	[tilespmem:s0+$0x0] =	vst v0  }
0x23: {  	[tilespmem:s0+$0x10] =	vst v0  }
0x24: {  	[tilespmem:s0+$0x20] =	vst v0  }
0x25: {  	[tilespmem:s0+$0x30] =	vst v0  }
0x26: {  	[tilespmem:s0+$0x40] =	vst v0  }
0x27: {  	[tilespmem:s0+$0x50] =	vst v0  }
0x28: {  	[tilespmem:s0+$0x60] =	vst v0;
	s23 =	simm.s32 $0x0  }
0x29: {  	[spmem:s6] =	stream.linear.scatter [tilespmem:s23], [sflag:$0x3], $0x5000, $0x38;
	[tilespmem:$0x1D400] =	vst v63  }
0x2a: {  	_ =	swait.ge [sflag:s18], $0x5000  }
0x2b: {  	[sflag:s18] =	ssyncset.done $0x0  }
0x2c: {  	s4 =	rddreg [dreg:$0x5];
	[sflag:s18] =	ssyncadd.s32 $0xFFFFB000  }
0x2d: {  	[spmem:s4] =	stream.linear.scatter [tilespmem:s23], [sflag:$0x3], $0x5000, $0x38;
	[tilespmem:$0x1D400] =	vst v63  }
0x2e: {  	_ =	swait.ge [sflag:s18], $0x5000  }
0x2f: {  	[sflag:s18] =	ssyncset.done $0x0  }
0x30: {  	[sflag:s18] =	ssyncadd.s32 $0xFFFFB000  }
0x31: {  	[spmem:s8] =	stream.linear.scatter [tilespmem:s23], [sflag:$0x3], $0x5000, $0x38;
	[tilespmem:$0x1D400] =	vst v63  }
0x32: {  	_ =	swait.ge [sflag:s18], $0x5000  }
0x33: {  	[sflag:s18] =	ssyncset.done $0x0  }
0x34: {  	[sflag:s18] =	ssyncadd.s32 $0xFFFFB000  }
0x35: {  	[spmem:s9] =	stream.linear.scatter [tilespmem:s23], [sflag:$0x3], $0x4C00, $0x38;
	[tilespmem:$0x1D400] =	vst v63  }
0x36: {  	_ =	swait.ge [sflag:s18], $0x4C00  }
0x37: {  	[sflag:s18] =	ssyncset.done $0x0  }
0x38: {  	[sflag:s18] =	ssyncadd.s32 $0xFFFFB400  }
0x39: {  	p0 =	por $0x1, $0x1;
	[bflag:$0x0] =	sbarrier.arrive $0xFFFF  }
0x3a: {  	[tilespmem:s23], [sflag:$0x1] =	stream.linear.gather [hbm4b:s10+s23], $0x4000, $0x38;
	[tilespmem:$0x1D400] =	vst v63  }
0x3b: {  	s0 =	simm.s32 @!p0 $0x0;
	s17 =	simm.s32 @!p0 $0x8000;
	s23 =	simm.s32 @!p0 $0x3  }
0x3c: {  	[tilespmem:s17], [sflag:$0x3] =	stream.linear.gather @!p0 [hbm4b:s11+s0], $0x1800, $0x38;
	[tilespmem:$0x1D400] =	vst v63  }
0x3d: {  	_ =	swait.ge @!p0 [sflag:s23], $0x1800  }
0x3e: {  	[sflag:s23] =	ssyncset.done @!p0 $0x0  }
0x3f: {  	s0 =	simm.s32 $0xFFFFF000;
	[sflag:s23] =	ssyncadd.s32 @!p0 $0xFFFFE800  }
0x40: {  	[tilespmem:s19], [sflag:$0x2] =	stream.linear.gather [hbm4b:s16+s3], $0x4000, $0x38;
	[tilespmem:$0x1D400] =	vst v63  }
0x41: {  	s17 =	simm.s32 $0x0;
	p0 =	por $0x1, $0x1;
	_ =	swait.ge [sflag:s20], $0x4000  }
0x42: {  	s0 =	smov.u32 @p0 s17;
	[sflag:s20] =	ssyncset.done $0x0  }
0x43: {  	s25 =	sshrl.u32 s15, $0x3;
	s0 =	sadd.s32 $0x8000, s0;
	[sflag:s20] =	ssyncadd.s32 $0xFFFFC000  }
0x44: {  	[spmem:s2] =	stream.indirect.scatter.add.f32 [tilespmem:s3], [sflag:$0x3], $0x80, s0, s21, $0xb8;
	[tilespmem:$0x1D400] =	vst v63  }
0x45: {  	s31 =	simm.s32 $0xFFFFF100;
	s29 =	simm.s32 $0x7FFFE3;
	_ =	swait.ge [sflag:s18], $0x4000  }
0x46: {  	s17 =	simm.s32 $0x1;
	s0 =	simm.s32 $0x7FFFE1;
	[sflag:s18] =	ssyncset.done $0x0  }
0x47: {  	s26 =	sadd.s32 s1, s25;
	s0 =	smov.u32 @p0 s17;
	[sflag:s18] =	ssyncadd.s32 $0xFFFFC000  }
0x48: {  	[tilespmem:s3], [sflag:$0x1] =	stream.linear.gather [hbm4b:s26+s3], $0x4000, $0x38;
	[tilespmem:$0x1D400] =	vst v63  }
0x49: {  	s30 =	sadd.s32 $0x8000, s15;
	s0 =	sshll.u32 s0, $0x9;
	_ =	swait.ge [sflag:s22], $0x4000  }
0x4a: {  	p1 =	por $0x1, $0x1;
	s0 =	sshra.s32 s0, $0x2;
	[sflag:s22] =	ssyncset.done $0x0  }
0x4b: {  	s23 =	simm.s32 $0xFFFFF200;
	s0 =	sadd.s32 $0x8000, s0;
	[sflag:s22] =	ssyncadd.s32 $0xFFFFC000  }
0x4c: {  	[spmem:s2] =	stream.indirect.scatter.add.f32 [tilespmem:s19], [sflag:$0x3], $0x80, s0, s21, $0xb8;
	[tilespmem:$0x1D400] =	vst v63  }
0x4d: {  	s17 =	simm.s32 $0x1;
	s0 =	sadd.s32 $0x1000, s16;
	_ =	swait.ge [sflag:s18], $0x4000  }
.LBB2_4:
0x4e: {  	s4 =	simm.s32 @!p1 $0x0  }
0x4f: {  	s25 =	simm.s32 @!p1 $0x8000;
	[sflag:s18] =	ssyncset.done $0x0;
	s26 =	smov.u32 s23  }
0x50: {  	s23 =	sadd.s32 $0x100, s23;
	s7 =	simm.s32 @!p1 $0x3;
	[sflag:s18] =	ssyncadd.s32 $0xFFFFC000  }
0x51: {  	[tilespmem:s25], [sflag:$0x3] =	stream.linear.gather @!p1 [hbm4b:s11+s4], $0x1800, $0x38;
	[tilespmem:$0x1D400] =	vst v63  }
0x52: {  	p0 =	sne.s32 s23, $0x1600;
	_ =	swait.ge @!p1 [sflag:s7], $0x1800  }
0x53: {  	s4 =	sadd.s32 $0xFF800020, s29;
	[sflag:s7] =	ssyncset.done @!p1 $0x0  }
0x54: {  	[sflag:s7] =	ssyncadd.s32 @!p1 $0xFFFFE800;
	p1 =	slt.u32 s17, $0x10;
	s7 =	sadd.s32 $0x1000, s31  }
0x55: {  	[tilespmem:s19], [sflag:$0x2] =	stream.linear.gather [hbm4b:s0+s3], $0x4000, $0x38;
	[tilespmem:$0x1D400] =	vst v63  }
0x56: {  	s31 =	smov.u32 @p1 s7;
	s7 =	smov.u32 s29;
	_ =	swait.ge [sflag:s20], $0x4000  }
0x57: {  	s7 =	smov.u32 @p1 s4;
	[sflag:s20] =	ssyncset.done $0x0  }
0x58: {  	s4 =	sadd.s32 $0x8000, s31;
	s7 =	sshll.u32 s7, $0x9;
	[sflag:s20] =	ssyncadd.s32 $0xFFFFC000  }
0x59: {  	[spmem:s2] =	stream.indirect.scatter.add.f32 [tilespmem:s3], [sflag:$0x3], $0x80, s4, s21, $0xb8;
	[tilespmem:$0x1D400] =	vst v63  }
0x5a: {  	s31 =	smov.u32 s26;
	_ =	swait.ge [sflag:s18], $0x4000  }
0x5b: {  	s4 =	sshrl.u32 s30, $0x3;
	[sflag:s18] =	ssyncset.done $0x0  }
0x5c: {  	s4 =	sadd.s32 s1, s4;
	[sflag:s18] =	ssyncadd.s32 $0xFFFFC000  }
0x5d: {  	[tilespmem:s3], [sflag:$0x1] =	stream.linear.gather [hbm4b:s4+s3], $0x4000, $0x38;
	[tilespmem:$0x1D400] =	vst v63  }
.Ltmp1:
0x5e: {  	s29 =	sadd.s32 $0x2, s29;
	_ =	swait.ge [sflag:s22], $0x4000;
	(pc) =	sbr.rel @p0 .LBB2_4-.Ltmp1, $4  }
0x5f: {  	s0 =	sadd.s32 $0x1000, s0;
	s4 =	sshra.s32 s7, $0x2;
	[sflag:s22] =	ssyncset.done $0x0  }
0x60: {  	s30 =	sadd.s32 $0x8000, s30;
	s4 =	sadd.s32 $0x8000, s4;
	[sflag:s22] =	ssyncadd.s32 $0xFFFFC000  }
0x61: {  	[spmem:s2] =	stream.indirect.scatter.add.f32 [tilespmem:s19], [sflag:$0x3], $0x80, s4, s21, $0xb8;
	[tilespmem:$0x1D400] =	vst v63  }
0x62: {  	s17 =	sadd.s32 $0x1, s17;
	p1 =	sne.s32 s31, $0x0;
	_ =	swait.ge [sflag:s18], $0x4000  }
0x63: {  	s4 =	simm.s32 @!p1 $0x0;
	[sflag:s18] =	ssyncset.done $0x0  }
0x64: {  	s7 =	simm.s32 @!p1 $0x8000;
	s23 =	simm.s32 @!p1 $0x3;
	[sflag:s18] =	ssyncadd.s32 $0xFFFFC000  }
0x65: {  	[tilespmem:s7], [sflag:$0x3] =	stream.linear.gather @!p1 [hbm4b:s11+s4], $0x1800, $0x38;
	[tilespmem:$0x1D400] =	vst v63  }
0x66: {  	_ =	swait.ge @!p1 [sflag:s23], $0x1800  }
0x67: {  	[sflag:s23] =	ssyncset.done @!p1 $0x0  }
0x68: {  	[sflag:s23] =	ssyncadd.s32 @!p1 $0xFFFFE800  }
0x69: {  	[tilespmem:s19], [sflag:$0x2] =	stream.linear.gather [hbm4b:s0+s3], $0x4000, $0x38;
	[tilespmem:$0x1D400] =	vst v63  }
0x6a: {  	p0 =	slt.u32 s17, $0x10;
	s0 =	sadd.s32 $0x1000, s31;
	_ =	swait.ge [sflag:s20], $0x4000  }
0x6b: {  	s31 =	smov.u32 @p0 s0;
	[sflag:s20] =	ssyncset.done $0x0  }
0x6c: {  	s0 =	sadd.s32 $0x8000, s31;
	[sflag:s20] =	ssyncadd.s32 $0xFFFFC000  }
0x6d: {  	[spmem:s2] =	stream.indirect.scatter.add.f32 [tilespmem:s3], [sflag:$0x3], $0x80, s0, s21, $0xb8;
	[tilespmem:$0x1D400] =	vst v63  }
0x6e: {  	_ =	swait.ge [sflag:s18], $0x4000  }
0x6f: {  	s23 =	sshrl.u32 s30, $0x3;
	s0 =	sadd.s32 $0xFF800020, s29;
	[sflag:s18] =	ssyncset.done $0x0  }
0x70: {  	s25 =	sadd.s32 s1, s23;
	s29 =	smov.u32 @p0 s0;
	[sflag:s18] =	ssyncadd.s32 $0xFFFFC000  }
0x71: {  	[tilespmem:s3], [sflag:$0x1] =	stream.linear.gather [hbm4b:s25+s3], $0x4000, $0x38;
	[tilespmem:$0x1D400] =	vst v63  }
0x72: {  	s26 =	sshll.u32 s29, $0x9;
	_ =	swait.ge [sflag:s22], $0x4000  }
0x73: {  	s0 =	sshra.s32 s26, $0x2;
	[sflag:s22] =	ssyncset.done $0x0  }
0x74: {  	s0 =	sadd.s32 $0x8000, s0;
	[sflag:s22] =	ssyncadd.s32 $0xFFFFC000  }
0x75: {  	[spmem:s2] =	stream.indirect.scatter.add.f32 [tilespmem:s19], [sflag:$0x3], $0x80, s0, s21, $0xb8;
	[tilespmem:$0x1D400] =	vst v63  }
0x76: {  	_ =	swait.ge [sflag:s18], $0x4000  }
0x77: {  	[sflag:s18] =	ssyncset.done $0x0  }
0x78: {  	s29 =	simm.s32 $0x0;
	[sflag:s18] =	ssyncadd.s32 $0xFFFFC000  }
0x79: {  	[tilespmem:s19], [sflag:$0x2] =	stream.linear.gather [hbm4b:s14+s29], $0x4000, $0x38;
	[tilespmem:$0x1D400] =	vst v63  }
0x7a: {  	_ =	swait.ge [sflag:s20], $0x4000  }
0x7b: {  	[sflag:s20] =	ssyncset.done $0x0  }
0x7c: {  	s30 =	simm.s32 $0x9600;
	[sflag:s20] =	ssyncadd.s32 $0xFFFFC000  }
0x7d: {  	[spmem:s2] =	stream.indirect.scatter.add.f32 [tilespmem:s29], [sflag:$0x3], $0x80, s30, s21, $0xb8;
	[tilespmem:$0x1D400] =	vst v63  }
0x7e: {  	_ =	swait.ge [sflag:s18], $0x4000  }
0x7f: {  	[sflag:s18] =	ssyncset.done $0x0  }
0x80: {  	[sflag:s18] =	ssyncadd.s32 $0xFFFFC000  }
0x81: {  	_ =	swait.ge [sflag:s22], $0x4000  }
0x82: {  	[sflag:s22] =	ssyncset.done $0x0  }
0x83: {  	s31 =	simm.s32 $0x9680;
	[sflag:s22] =	ssyncadd.s32 $0xFFFFC000  }
0x84: {  	[spmem:s2] =	stream.indirect.scatter.add.f32 [tilespmem:s19], [sflag:$0x3], $0x80, s31, s21, $0xb8;
	[tilespmem:$0x1D400] =	vst v63  }
0x85: {  	_ =	swait.ge [sflag:s18], $0x4000  }
0x86: {  	[sflag:s18] =	ssyncset.done $0x0  }
0x87: {  	[sflag:s18] =	ssyncadd.s32 $0xFFFFC000  }
0x88: {  	[tilespmem:s29], [sflag:$0x3] =	stream.linear.gather [hbm4b:s12+s29], $0x800, $0x38;
	[tilespmem:$0x1D400] =	vst v63  }
0x89: {  	_ =	swait.ge [sflag:s18], $0x800  }
0x8a: {  	[sflag:s18] =	ssyncset.done $0x0  }
0x8b: {  	s17 =	simm.s32 $0x200;
	s0 =	simm.s32 $0x0;
	[sflag:s18] =	ssyncadd.s32 $0xFFFFF800  }
.LBB2_6:
0x8c: {  	p0 =	sne.s32 s17, $0xDE00;
	[tilespmem:s0+$0x870] =	vst v0  }
0x8d: {  	[tilespmem:s0+$0x800] =	vst v0  }
0x8e: {  	[tilespmem:s0+$0x810] =	vst v0  }
.Ltmp2:
0x8f: {  	[tilespmem:s0+$0x820] =	vst v0;
	(pc) =	sbr.rel @p0 .LBB2_6-.Ltmp2, $4  }
0x90: {  	[tilespmem:s0+$0x830] =	vst v0  }
0x91: {  	[tilespmem:s0+$0x840] =	vst v0  }
0x92: {  	[tilespmem:s0+$0x850] =	vst v0  }
0x93: {  	[tilespmem:s0+$0x860] =	vst v0;
	s0 =	sshra.s32 s17, $0x2;
	s17 =	sadd.s32 $0x200, s17  }
0x94: {  	[tilespmem:s0+$0x870] =	vst v0  }
0x95: {  	[tilespmem:s0+$0x800] =	vst v0  }
0x96: {  	[tilespmem:s0+$0x810] =	vst v0  }
0x97: {  	[tilespmem:s0+$0x820] =	vst v0  }
0x98: {  	[tilespmem:s0+$0x830] =	vst v0  }
0x99: {  	[tilespmem:s0+$0x840] =	vst v0  }
0x9a: {  	[tilespmem:s0+$0x850] =	vst v0  }
0x9b: {  	[tilespmem:s0+$0x860] =	vst v0;
	s30 =	simm.s32 $0x9700  }
0x9c: {  	[spmem:s2] =	stream.indirect.scatter.add.f32 [tilespmem:s3], [sflag:$0x3], $0x80, s30, s21, $0xb8;
	[tilespmem:$0x1D400] =	vst v63  }
0x9d: {  	s31 =	stileid.u32;
	_ =	swait.ge [sflag:s18], $0x4000  }
0x9e: {  	s4 =	sshrl.u32 s6, $0x3;
	s28 =	sadd.s32 $0x1, s28;
	[sflag:s18] =	ssyncset.done $0x0  }
0x9f: {  	s0 =	sshll.u32 s31, $0x6;
	p0 =	sne.s32 s28, s13;
	[sflag:s18] =	ssyncadd.s32 $0xFFFFC000  }
.Ltmp3:
0xa0: {  	s0 =	sor.u32 $0x1C03, s0;
	[bflag:$0x0] =	sbarrier.arrive $0xFFFF;
	(pc) =	sbr.rel @p0 .LBB2_1-.Ltmp3, $4  }
0xa1: {  	[hbm:s24], [sflag:s0] =	dma.local [spmem:s4], $0x2780  }
0xa2: {  	_ =	swait.ge [sflag:s18], $0x2780  }
0xa3: {  	[sflag:s18] =	ssyncset.done $0x0  }
0xa4: {  	[sflag:s18] =	ssyncadd.s32 $0xFFFFD880  }
0xa5: {  	_ =	sfence.sel $0x180000  }
0xa6: {  	[bflag:$0x0] =	sbarrier.arrive $0xFFFF  }
0xa7: {  	_ =	strace $0x90000047  }
0xa8: {  	s0 =	stileid.u32;
	[bflag:$0x2] =	sbarrier.arrive $0xFFFF  }
0xa9: {  	p0 =	sne.s32 s0, $0x0;
	s0 =	rddreg [dreg:$0x4]  }
0xaa: {  	s0 =	sadd.s32 @!p0 $0x100000, s0  }
0xab: {  	[sflag:s0] =	ssyncadd.tile.s32 @!p0 $0x1;
	_ =	shalt  }
.Lfunc_end2:
_tile_overlayer_lowered:
.L_overlay_start_2:
0xac: {  	(tag) =	ssettag $0x2  }
0xad: {  	s0 =	rddreg [dreg:$0x0];
	s2 =	stileid.u32  }
0xae: {  	s1 =	rddreg [dreg:$0x1];
	p0 =	sne.s32 s2, $0x0  }
0xaf: {  	s3 =	rddreg [dreg:$0x2];
	[bflag:$0x3] =	sbarrier.arrive $0xFFFF;
	s2 =	simm.s32 @!p0 $0x1C03  }
0xb0: {  	[timem:s3], [sflag:s2] =	dma.local @!p0 [hbm:s0], s1  }
0xb1: {  	s0 =	simm.s32 @!p0 $0x3  }
0xb2: {  	_ =	swait.ge @!p0 [sflag:s0], s1  }
0xb3: {  	s1 =	ssub.s32 @!p0 $0x0, s1;
	[sflag:s0] =	ssyncset.done @!p0 $0x0  }
0xb4: {  	[sflag:s0] =	ssyncadd.s32 @!p0 s1  }
0xb5: {  	[bflag:$0x3] =	sbarrier.arrive $0xFFFF  }
0xb6: {  	_ =	shalt  }

</sc_bundles>
